<compile_context>
chip_gen: v7x
topology: tpu7x:2x2x1
jax: 0.10.2.dev20260603
libtpu: 0.0.44.dev20260713+nightly
codegen_flags: <defaults>
</compile_context>

<pallas_src>
import functools

import jax
import jax.numpy as jnp
from jax import lax
from jax.experimental import pallas as pl
from jax.experimental.pallas import tpu as pltpu
from jax.experimental.pallas import tpu_sc as plsc

N = 10000
D = 128
E = 320000
NPAD = 10240
NT = 32
EPT = E // NT
K = 125
CH = EPT // K
RPT = NPAD // 16
NSUB = 8

_mesh = plsc.VectorSubcoreMesh(core_axis_name="c", subcore_axis_name="s")


@functools.partial(
    pl.kernel,
    mesh=_mesh,
    out_type=jax.ShapeDtypeStruct((2, NPAD), jnp.float32),
    scratch_types=[
        pltpu.VMEM((CH, K), jnp.int32),
        pltpu.VMEM((128,), jnp.float32),
        pltpu.VMEM((RPT,), jnp.float32),
        pltpu.VMEM_SHARED((NPAD,), jnp.float32),
    ],
)
def _deg_kernel(dst_hbm, out_hbm, dst_v, ones_v, zb_v, deg_sh):
    cid = lax.axis_index("c")
    sid = lax.axis_index("s")
    wid = sid * 2 + cid
    pltpu.sync_copy(dst_hbm.at[wid], dst_v)

    zeros16 = jnp.zeros((16,), jnp.float32)
    ones16 = jnp.ones((16,), jnp.float32)
    for j in range(128 // 16):
        ones_v[pl.ds(j * 16, 16)] = ones16

    def zero_body(j, _):
        zb_v[pl.ds(j * 16, 16)] = zeros16
        return 0

    lax.fori_loop(0, RPT // 16, zero_body, 0)
    r0 = sid * RPT
    pltpu.sync_copy(zb_v, deg_sh.at[pl.ds(r0, RPT)])
    plsc.subcore_barrier()

    def body(i, _):
        pltpu.sync_copy(ones_v.at[pl.ds(0, K)], deg_sh.at[dst_v.at[i]], add=True)
        return 0

    lax.fori_loop(0, CH, body, 0)
    plsc.subcore_barrier()
    pltpu.sync_copy(deg_sh.at[pl.ds(r0, RPT)], out_hbm.at[cid, pl.ds(r0, RPT)])


@functools.partial(
    pl.kernel,
    mesh=_mesh,
    out_type=jax.ShapeDtypeStruct((2, NPAD, D), jnp.float32),
    scratch_types=[
        pltpu.VMEM((CH, K), jnp.int32),
        pltpu.VMEM((CH, K), jnp.int32),
        pltpu.VMEM((K, D), jnp.float32),
        pltpu.VMEM_SHARED((NPAD, D), jnp.float32),
    ],
)
def _edge_kernel(src_hbm, dst_hbm, z_hbm, out_hbm, src_v, dst_v, rows_v, acc_sh):
    cid = lax.axis_index("c")
    sid = lax.axis_index("s")
    wid = sid * 2 + cid
    pltpu.sync_copy(src_hbm.at[wid], src_v)
    pltpu.sync_copy(dst_hbm.at[wid], dst_v)

    r0 = sid * RPT
    pltpu.sync_copy(z_hbm.at[pl.ds(r0, RPT)], acc_sh.at[pl.ds(r0, RPT)])
    plsc.subcore_barrier()

    def body(i, _):
        pltpu.sync_copy(z_hbm.at[src_v.at[i]], rows_v)
        pltpu.sync_copy(rows_v, acc_sh.at[dst_v.at[i]], add=True)
        return 0

    lax.fori_loop(0, CH, body, 0)
    plsc.subcore_barrier()
    pltpu.sync_copy(acc_sh.at[pl.ds(r0, RPT)], out_hbm.at[cid, pl.ds(r0, RPT)])


def _tc_transform(tablep, W, deg2):
    R = 2048

    def body(x_ref, w_ref, deg_ref, z_ref):
        deg = jnp.sum(deg_ref[...], axis=1, keepdims=True) + 1.0
        dinv = lax.rsqrt(deg)
        y = lax.dot_general(x_ref[...], w_ref[...], (((1,), (1,)), ((), ())),
                            preferred_element_type=jnp.float32)
        z_ref[...] = y * dinv

    return pl.pallas_call(
        body,
        grid=(NPAD // R,),
        in_specs=[
            pl.BlockSpec((R, D), lambda i: (i, 0)),
            pl.BlockSpec((D, D), lambda i: (0, 0)),
            pl.BlockSpec((R, 2), lambda i: (i, 0)),
        ],
        out_specs=pl.BlockSpec((R, D), lambda i: (i, 0)),
        out_shape=jax.ShapeDtypeStruct((NPAD, D), jnp.float32),
    )(tablep, W, deg2)


def _tc_final(acc, z, deg2, b2):
    R = 2000

    def body(a_ref, z_ref, deg_ref, b_ref, o_ref):
        deg = jnp.sum(deg_ref[...], axis=1, keepdims=True) + 1.0
        dinv = lax.rsqrt(deg)
        s = a_ref[0] + a_ref[1] - z_ref[...]
        o_ref[...] = jnp.maximum(s * dinv + b_ref[...], 0.0)

    return pl.pallas_call(
        body,
        grid=(N // R,),
        in_specs=[
            pl.BlockSpec((2, R, D), lambda i: (0, i, 0)),
            pl.BlockSpec((R, D), lambda i: (i, 0)),
            pl.BlockSpec((R, 2), lambda i: (i, 0)),
            pl.BlockSpec((1, D), lambda i: (0, 0)),
        ],
        out_specs=pl.BlockSpec((R, D), lambda i: (i, 0)),
        out_shape=jax.ShapeDtypeStruct((N, D), jnp.float32),
    )(acc, z, deg2, b2)


def kernel(nodes, edges, table, W, b):
    del nodes
    src = edges[0].reshape(NT, CH, K)
    dst = edges[1].reshape(NT, CH, K)

    deg_parts = _deg_kernel(dst)
    deg2 = deg_parts.T
    tablep = jnp.pad(table, ((0, NPAD - N), (0, 0)))
    z = _tc_transform(tablep, W, deg2)
    acc = _edge_kernel(src, dst, z)
    return _tc_final(acc, z, deg2, b.reshape(1, D))

# --- scband reference (transcript-rebuilt; emitter-appended) ---
"""Pipeline reference for scband-gcn-19559281066058 (READ-ONLY COPY).

The authoritative reference and input builder live on the scoring server;
editing this copy changes nothing except your own understanding.
"""

import jax, jax.numpy as jnp
import numpy as np

N_NODES = 10000
EMBED_DIM = 128
N_EDGES = 320000


def setup_inputs(seed: int = 0) -> dict:
    key = jax.random.key(seed)
    k1, k2, k3 = jax.random.split(key, 3)
    # forward args per input_specs
    nodes = jnp.arange(N_NODES)  # int indices, in-range [0, N_NODES)
    edges = jax.random.randint(k1, (2, N_EDGES), 0, N_NODES)
    # learned parameters sized per init_kwargs
    table = jax.random.normal(k2, (N_NODES, EMBED_DIM), dtype=jnp.float32)  # nn.Embedding weight
    W = jax.random.normal(k3, (EMBED_DIM, EMBED_DIM), dtype=jnp.float32) * (1.0 / np.sqrt(EMBED_DIM))  # GCNConv lin weight [out, in]
    b = jnp.zeros((EMBED_DIM,), dtype=jnp.float32)  # GCNConv bias
    return {"nodes": nodes, "edges": edges, "table": table, "W": W, "b": b}


def _gcn_conv(x, edge_index, W, b):
    # Faithful PyG GCNConv: x @ W^T, add self-loops, symmetric deg^-1/2 norm, scatter-add, + bias
    n = x.shape[0]
    x = x @ W.T
    loop = jnp.arange(n)
    row = jnp.concatenate([edge_index[0], loop])  # source
    col = jnp.concatenate([edge_index[1], loop])  # target
    ones = jnp.ones(row.shape[0], dtype=x.dtype)
    deg = jnp.zeros((n,), dtype=x.dtype).at[col].add(ones)
    deg_inv_sqrt = jnp.where(deg > 0, deg ** -0.5, 0.0)
    norm = deg_inv_sqrt[row] * deg_inv_sqrt[col]
    msg = x[row] * norm[:, None]
    out = jnp.zeros_like(x).at[col].add(msg)
    return out + b


def reference(nodes, edges, table, W, b):
    # nodes_embedding = self.embedding(nodes)
    nodes_embedding = jnp.take(table, nodes, axis=0)
    # nodes_embedding = self.gcn(nodes_embedding, edges)
    nodes_embedding = _gcn_conv(nodes_embedding, edges, W, b)
    # torch.relu
    return jax.nn.relu(nodes_embedding)

if __name__ == "__main__":
    import jax
    _d = setup_inputs()
    print(jax.jit(kernel)(*tuple(_d.values())))

</pallas_src>

<mosaic_0001>
#map = affine_map<(d0, d1) -> (0, 0, 0)>
#map1 = affine_map<(d0, d1) -> (0, 0)>
module attributes {stable_mosaic.version = 14 : i64} {
  func.func @_edge_kernel(%arg0: i32, %arg1: i32, %arg2: memref<32x80x125xi32, #tpu.memory_space<hbm>>, %arg3: memref<32x80x125xi32, #tpu.memory_space<hbm>>, %arg4: memref<10240x128xf32, #tpu.memory_space<hbm>>, %arg5: memref<2x10240x128xf32, #tpu.memory_space<hbm>>, %arg6: memref<80x125xi32, #tpu.memory_space<vmem>>, %arg7: memref<80x125xi32, #tpu.memory_space<vmem>>, %arg8: memref<125x128xf32, #tpu.memory_space<vmem>>, %arg9: memref<10240x128xf32, #tpu.memory_space<vmem_shared>>) attributes {dimension_semantics = [#tpu.dimension_semantics<core_parallel>, #tpu.dimension_semantics<subcore_parallel>], iteration_bounds = array<i64: 2, 16>, scalar_prefetch = 0 : i64, scratch_operands = 4 : i64, tpu.core_type = #tpu.core_type<sc_vector_subcore>, window_params = [{transform_indices = #map}, {transform_indices = #map}, {transform_indices = #map1}, {transform_indices = #map}]} {
    %mul3A = arith.constant 2 : i32
    %mul3A_0 = arith.muli %arg1, %mul3A : i32
    %add3A = arith.addi %mul3A_0, %arg0 : i32
    "tpu.region"() ({
      %run_scoped3A = tpu.sem_alloc : memref<!tpu.dma_semaphore, #tpu.memory_space<semaphore_mem>>
      %dma_start3A = arith.constant 0 : i32
      %dma_start3A_10 = arith.constant 0 : i32
      %dma_start3A_11 = tpu.memref_slice %arg2[%add3A, %dma_start3A, %dma_start3A_10] : memref<32x80x125xi32, #tpu.memory_space<hbm>> -> memref<1x80x125xi32, #tpu.memory_space<hbm>>
      %dma_start3A_12 = tpu.memref_squeeze %dma_start3A_11 : memref<1x80x125xi32, #tpu.memory_space<hbm>> -> memref<80x125xi32, #tpu.memory_space<hbm>>
      %dma_start3A_13 = arith.constant 0 : i32
      %dma_start3A_14 = arith.constant 0 : i32
      %dma_start3A_15 = tpu.memref_slice %arg2[%add3A, %dma_start3A_13, %dma_start3A_14] : memref<32x80x125xi32, #tpu.memory_space<hbm>> -> memref<1x80x125xi32, #tpu.memory_space<hbm>>
      %dma_start3A_16 = tpu.memref_squeeze %dma_start3A_15 : memref<1x80x125xi32, #tpu.memory_space<hbm>> -> memref<80x125xi32, #tpu.memory_space<hbm>>
      tpu.enqueue_dma source(%dma_start3A_16 : memref<80x125xi32, #tpu.memory_space<hbm>>) target(%arg6 : memref<80x125xi32, #tpu.memory_space<vmem>>) target_semaphore(%run_scoped3A : memref<!tpu.dma_semaphore, #tpu.memory_space<semaphore_mem>>)
      %dma_wait3A = arith.constant 0 : i32
      %dma_wait3A_17 = arith.constant 0 : i32
      %dma_wait3A_18 = tpu.memref_slice %arg2[%add3A, %dma_wait3A, %dma_wait3A_17] : memref<32x80x125xi32, #tpu.memory_space<hbm>> -> memref<1x80x125xi32, #tpu.memory_space<hbm>>
      %dma_wait3A_19 = tpu.memref_squeeze %dma_wait3A_18 : memref<1x80x125xi32, #tpu.memory_space<hbm>> -> memref<80x125xi32, #tpu.memory_space<hbm>>
      %dma_wait3A_20 = arith.constant 0 : i32
      %dma_wait3A_21 = arith.constant 0 : i32
      %dma_wait3A_22 = tpu.memref_slice %arg2[%add3A, %dma_wait3A_20, %dma_wait3A_21] : memref<32x80x125xi32, #tpu.memory_space<hbm>> -> memref<1x80x125xi32, #tpu.memory_space<hbm>>
      %dma_wait3A_23 = tpu.memref_squeeze %dma_wait3A_22 : memref<1x80x125xi32, #tpu.memory_space<hbm>> -> memref<80x125xi32, #tpu.memory_space<hbm>>
      tpu.wait_dma2 semaphore(%run_scoped3A : memref<!tpu.dma_semaphore, #tpu.memory_space<semaphore_mem>>) src(%dma_wait3A_23 : memref<80x125xi32, #tpu.memory_space<hbm>>) dst(%arg6 : memref<80x125xi32, #tpu.memory_space<vmem>>)
      tpu.yield
    }) : () -> ()
    "tpu.region"() ({
      %run_scoped3A = tpu.sem_alloc : memref<!tpu.dma_semaphore, #tpu.memory_space<semaphore_mem>>
      %dma_start3A = arith.constant 0 : i32
      %dma_start3A_10 = arith.constant 0 : i32
      %dma_start3A_11 = tpu.memref_slice %arg3[%add3A, %dma_start3A, %dma_start3A_10] : memref<32x80x125xi32, #tpu.memory_space<hbm>> -> memref<1x80x125xi32, #tpu.memory_space<hbm>>
      %dma_start3A_12 = tpu.memref_squeeze %dma_start3A_11 : memref<1x80x125xi32, #tpu.memory_space<hbm>> -> memref<80x125xi32, #tpu.memory_space<hbm>>
      %dma_start3A_13 = arith.constant 0 : i32
      %dma_start3A_14 = arith.constant 0 : i32
      %dma_start3A_15 = tpu.memref_slice %arg3[%add3A, %dma_start3A_13, %dma_start3A_14] : memref<32x80x125xi32, #tpu.memory_space<hbm>> -> memref<1x80x125xi32, #tpu.memory_space<hbm>>
      %dma_start3A_16 = tpu.memref_squeeze %dma_start3A_15 : memref<1x80x125xi32, #tpu.memory_space<hbm>> -> memref<80x125xi32, #tpu.memory_space<hbm>>
      tpu.enqueue_dma source(%dma_start3A_16 : memref<80x125xi32, #tpu.memory_space<hbm>>) target(%arg7 : memref<80x125xi32, #tpu.memory_space<vmem>>) target_semaphore(%run_scoped3A : memref<!tpu.dma_semaphore, #tpu.memory_space<semaphore_mem>>)
      %dma_wait3A = arith.constant 0 : i32
      %dma_wait3A_17 = arith.constant 0 : i32
      %dma_wait3A_18 = tpu.memref_slice %arg3[%add3A, %dma_wait3A, %dma_wait3A_17] : memref<32x80x125xi32, #tpu.memory_space<hbm>> -> memref<1x80x125xi32, #tpu.memory_space<hbm>>
      %dma_wait3A_19 = tpu.memref_squeeze %dma_wait3A_18 : memref<1x80x125xi32, #tpu.memory_space<hbm>> -> memref<80x125xi32, #tpu.memory_space<hbm>>
      %dma_wait3A_20 = arith.constant 0 : i32
      %dma_wait3A_21 = arith.constant 0 : i32
      %dma_wait3A_22 = tpu.memref_slice %arg3[%add3A, %dma_wait3A_20, %dma_wait3A_21] : memref<32x80x125xi32, #tpu.memory_space<hbm>> -> memref<1x80x125xi32, #tpu.memory_space<hbm>>
      %dma_wait3A_23 = tpu.memref_squeeze %dma_wait3A_22 : memref<1x80x125xi32, #tpu.memory_space<hbm>> -> memref<80x125xi32, #tpu.memory_space<hbm>>
      tpu.wait_dma2 semaphore(%run_scoped3A : memref<!tpu.dma_semaphore, #tpu.memory_space<semaphore_mem>>) src(%dma_wait3A_23 : memref<80x125xi32, #tpu.memory_space<hbm>>) dst(%arg7 : memref<80x125xi32, #tpu.memory_space<vmem>>)
      tpu.yield
    }) : () -> ()
    %mul3A_1 = arith.constant 640 : i32
    %mul3A_2 = arith.muli %arg1, %mul3A_1 : i32
    "tpu.region"() ({
      %run_scoped3A = tpu.sem_alloc : memref<!tpu.dma_semaphore, #tpu.memory_space<semaphore_mem>>
      %dma_start3A = arith.constant 0 : i32
      %dma_start3A_10 = tpu.memref_slice %arg9[%mul3A_2, %dma_start3A] : memref<10240x128xf32, #tpu.memory_space<vmem_shared>> -> memref<640x128xf32, #tpu.memory_space<vmem_shared>>
      %dma_start3A_11 = arith.constant 0 : i32
      %dma_start3A_12 = tpu.memref_slice %arg4[%mul3A_2, %dma_start3A_11] : memref<10240x128xf32, #tpu.memory_space<hbm>> -> memref<640x128xf32, #tpu.memory_space<hbm>>
      tpu.enqueue_dma source(%dma_start3A_12 : memref<640x128xf32, #tpu.memory_space<hbm>>) target(%dma_start3A_10 : memref<640x128xf32, #tpu.memory_space<vmem_shared>>) target_semaphore(%run_scoped3A : memref<!tpu.dma_semaphore, #tpu.memory_space<semaphore_mem>>)
      %dma_wait3A = arith.constant 0 : i32
      %dma_wait3A_13 = tpu.memref_slice %arg9[%mul3A_2, %dma_wait3A] : memref<10240x128xf32, #tpu.memory_space<vmem_shared>> -> memref<640x128xf32, #tpu.memory_space<vmem_shared>>
      %dma_wait3A_14 = arith.constant 0 : i32
      %dma_wait3A_15 = tpu.memref_slice %arg4[%mul3A_2, %dma_wait3A_14] : memref<10240x128xf32, #tpu.memory_space<hbm>> -> memref<640x128xf32, #tpu.memory_space<hbm>>
      tpu.wait_dma2 semaphore(%run_scoped3A : memref<!tpu.dma_semaphore, #tpu.memory_space<semaphore_mem>>) src(%dma_wait3A_15 : memref<640x128xf32, #tpu.memory_space<hbm>>) dst(%dma_wait3A_13 : memref<640x128xf32, #tpu.memory_space<vmem_shared>>)
      tpu.yield
    }) : () -> ()
    %barrier3A = arith.constant 0 : index
    tpu.barrier barrier_id(%barrier3A)
    %scan3A = arith.constant 0 : i32
    %scan3A_3 = arith.constant 0 : i32
    %scan3A_4 = arith.constant 80 : i32
    %scan3A_5 = arith.addi %scan3A_3, %scan3A_4 : i32
    %scan3A_6 = arith.constant 1 : i32
    %scan3A_7 = scf.for %scan3A_10 = %scan3A_3 to %scan3A_5 step %scan3A_6 iter_args(%scan3A_11 = %scan3A) -> (i32)  : i32 {
      "tpu.region"() ({
        %run_scoped3A = tpu.sem_alloc : memref<!tpu.dma_semaphore, #tpu.memory_space<semaphore_mem>>
        %dma_start3A = arith.constant 0 : i32
        %dma_start3A_13 = tpu.memref_slice %arg6[%scan3A_10, %dma_start3A] : memref<80x125xi32, #tpu.memory_space<vmem>> -> memref<1x125xi32, #tpu.memory_space<vmem>>
        %dma_start3A_14 = tpu.memref_squeeze %dma_start3A_13 : memref<1x125xi32, #tpu.memory_space<vmem>> -> memref<125xi32, #tpu.memory_space<vmem>>
        %dma_start3A_15 = arith.constant 0 : i32
        %dma_start3A_16 = arith.constant 0 : i32
        %dma_start3A_17 = tpu.memref_slice %arg4[%dma_start3A_15, %dma_start3A_16] : memref<10240x128xf32, #tpu.memory_space<hbm>> -> memref<10240x128xf32, #tpu.memory_space<hbm>>
        tpu.enqueue_indirect_dma source(%dma_start3A_17 : memref<10240x128xf32, #tpu.memory_space<hbm>>) target(%arg8 : memref<125x128xf32, #tpu.memory_space<vmem>>) offsets(%dma_start3A_14 : memref<125xi32, #tpu.memory_space<vmem>>) semaphore(%run_scoped3A : memref<!tpu.dma_semaphore, #tpu.memory_space<semaphore_mem>>)
        %dma_wait3A = arith.constant 0 : i32
        %dma_wait3A_18 = tpu.memref_slice %arg6[%scan3A_10, %dma_wait3A] : memref<80x125xi32, #tpu.memory_space<vmem>> -> memref<1x125xi32, #tpu.memory_space<vmem>>
        %dma_wait3A_19 = tpu.memref_squeeze %dma_wait3A_18 : memref<1x125xi32, #tpu.memory_space<vmem>> -> memref<125xi32, #tpu.memory_space<vmem>>
        %dma_wait3A_20 = arith.constant 0 : i32
        %dma_wait3A_21 = arith.constant 0 : i32
        %dma_wait3A_22 = tpu.memref_slice %arg4[%dma_wait3A_20, %dma_wait3A_21] : memref<10240x128xf32, #tpu.memory_space<hbm>> -> memref<10240x128xf32, #tpu.memory_space<hbm>>
        tpu.wait_indirect_dma semaphore(%run_scoped3A : memref<!tpu.dma_semaphore, #tpu.memory_space<semaphore_mem>>) src(%dma_wait3A_22 : memref<10240x128xf32, #tpu.memory_space<hbm>>) dst(%arg8 : memref<125x128xf32, #tpu.memory_space<vmem>>)
        tpu.yield
      }) : () -> ()
      "tpu.region"() ({
        %run_scoped3A = tpu.sem_alloc : memref<!tpu.dma_semaphore, #tpu.memory_space<semaphore_mem>>
        %dma_start3A = arith.constant 0 : i32
        %dma_start3A_13 = tpu.memref_slice %arg7[%scan3A_10, %dma_start3A] : memref<80x125xi32, #tpu.memory_space<vmem>> -> memref<1x125xi32, #tpu.memory_space<vmem>>
        %dma_start3A_14 = tpu.memref_squeeze %dma_start3A_13 : memref<1x125xi32, #tpu.memory_space<vmem>> -> memref<125xi32, #tpu.memory_space<vmem>>
        %dma_start3A_15 = arith.constant 0 : i32
        %dma_start3A_16 = arith.constant 0 : i32
        %dma_start3A_17 = tpu.memref_slice %arg9[%dma_start3A_15, %dma_start3A_16] : memref<10240x128xf32, #tpu.memory_space<vmem_shared>> -> memref<10240x128xf32, #tpu.memory_space<vmem_shared>>
        tpu.enqueue_indirect_dma source(%arg8 : memref<125x128xf32, #tpu.memory_space<vmem>>) target(%dma_start3A_17 : memref<10240x128xf32, #tpu.memory_space<vmem_shared>>) offsets(%dma_start3A_14 : memref<125xi32, #tpu.memory_space<vmem>>) semaphore(%run_scoped3A : memref<!tpu.dma_semaphore, #tpu.memory_space<semaphore_mem>>) {add = true}
        %dma_wait3A = arith.constant 0 : i32
        %dma_wait3A_18 = tpu.memref_slice %arg7[%scan3A_10, %dma_wait3A] : memref<80x125xi32, #tpu.memory_space<vmem>> -> memref<1x125xi32, #tpu.memory_space<vmem>>
        %dma_wait3A_19 = tpu.memref_squeeze %dma_wait3A_18 : memref<1x125xi32, #tpu.memory_space<vmem>> -> memref<125xi32, #tpu.memory_space<vmem>>
        %dma_wait3A_20 = arith.constant 0 : i32
        %dma_wait3A_21 = arith.constant 0 : i32
        %dma_wait3A_22 = tpu.memref_slice %arg9[%dma_wait3A_20, %dma_wait3A_21] : memref<10240x128xf32, #tpu.memory_space<vmem_shared>> -> memref<10240x128xf32, #tpu.memory_space<vmem_shared>>
        tpu.wait_indirect_dma semaphore(%run_scoped3A : memref<!tpu.dma_semaphore, #tpu.memory_space<semaphore_mem>>) src(%arg8 : memref<125x128xf32, #tpu.memory_space<vmem>>) dst(%dma_wait3A_22 : memref<10240x128xf32, #tpu.memory_space<vmem_shared>>)
        tpu.yield
      }) : () -> ()
      %scan3A_12 = arith.constant 0 : i32
      scf.yield %scan3A_12 : i32
    }
    %scan3A_8 = arith.constant 80 : i32
    %barrier3A_9 = arith.constant 0 : index
    tpu.barrier barrier_id(%barrier3A_9)
    "tpu.region"() ({
      %run_scoped3A = tpu.sem_alloc : memref<!tpu.dma_semaphore, #tpu.memory_space<semaphore_mem>>
      %dma_start3A = arith.constant 0 : i32
      %dma_start3A_10 = tpu.memref_slice %arg5[%arg0, %mul3A_2, %dma_start3A] : memref<2x10240x128xf32, #tpu.memory_space<hbm>> -> memref<1x640x128xf32, #tpu.memory_space<hbm>>
      %dma_start3A_11 = tpu.memref_squeeze %dma_start3A_10 : memref<1x640x128xf32, #tpu.memory_space<hbm>> -> memref<640x128xf32, #tpu.memory_space<hbm>>
      %dma_start3A_12 = arith.constant 0 : i32
      %dma_start3A_13 = tpu.memref_slice %arg9[%mul3A_2, %dma_start3A_12] : memref<10240x128xf32, #tpu.memory_space<vmem_shared>> -> memref<640x128xf32, #tpu.memory_space<vmem_shared>>
      tpu.enqueue_dma source(%dma_start3A_13 : memref<640x128xf32, #tpu.memory_space<vmem_shared>>) target(%dma_start3A_11 : memref<640x128xf32, #tpu.memory_space<hbm>>) target_semaphore(%run_scoped3A : memref<!tpu.dma_semaphore, #tpu.memory_space<semaphore_mem>>)
      %dma_wait3A = arith.constant 0 : i32
      %dma_wait3A_14 = tpu.memref_slice %arg5[%arg0, %mul3A_2, %dma_wait3A] : memref<2x10240x128xf32, #tpu.memory_space<hbm>> -> memref<1x640x128xf32, #tpu.memory_space<hbm>>
      %dma_wait3A_15 = tpu.memref_squeeze %dma_wait3A_14 : memref<1x640x128xf32, #tpu.memory_space<hbm>> -> memref<640x128xf32, #tpu.memory_space<hbm>>
      %dma_wait3A_16 = arith.constant 0 : i32
      %dma_wait3A_17 = tpu.memref_slice %arg9[%mul3A_2, %dma_wait3A_16] : memref<10240x128xf32, #tpu.memory_space<vmem_shared>> -> memref<640x128xf32, #tpu.memory_space<vmem_shared>>
      tpu.wait_dma2 semaphore(%run_scoped3A : memref<!tpu.dma_semaphore, #tpu.memory_space<semaphore_mem>>) src(%dma_wait3A_17 : memref<640x128xf32, #tpu.memory_space<vmem_shared>>) dst(%dma_wait3A_15 : memref<640x128xf32, #tpu.memory_space<hbm>>)
      tpu.yield
    }) : () -> ()
    return
  }
}

#map = affine_map<(d0, d1) -> (0, 0, 0)>
#map1 = affine_map<(d0, d1) -> (0, 0)>
module attributes {stable_mosaic.version = 14 : i64} {
  func.func @_deg_kernel(%arg0: i32, %arg1: i32, %arg2: memref<32x80x125xi32, #tpu.memory_space<hbm>>, %arg3: memref<2x10240xf32, #tpu.memory_space<hbm>>, %arg4: memref<80x125xi32, #tpu.memory_space<vmem>>, %arg5: memref<128xf32, #tpu.memory_space<vmem>>, %arg6: memref<640xf32, #tpu.memory_space<vmem>>, %arg7: memref<10240xf32, #tpu.memory_space<vmem_shared>>) attributes {dimension_semantics = [#tpu.dimension_semantics<core_parallel>, #tpu.dimension_semantics<subcore_parallel>], iteration_bounds = array<i64: 2, 16>, scalar_prefetch = 0 : i64, scratch_operands = 4 : i64, tpu.core_type = #tpu.core_type<sc_vector_subcore>, window_params = [{transform_indices = #map}, {transform_indices = #map1}]} {
    %mul3A = arith.constant 2 : i32
    %mul3A_0 = arith.muli %arg1, %mul3A : i32
    %add3A = arith.addi %mul3A_0, %arg0 : i32
    "tpu.region"() ({
      %run_scoped3A = tpu.sem_alloc : memref<!tpu.dma_semaphore, #tpu.memory_space<semaphore_mem>>
      %dma_start3A = arith.constant 0 : i32
      %dma_start3A_51 = arith.constant 0 : i32
      %dma_start3A_52 = tpu.memref_slice %arg2[%add3A, %dma_start3A, %dma_start3A_51] : memref<32x80x125xi32, #tpu.memory_space<hbm>> -> memref<1x80x125xi32, #tpu.memory_space<hbm>>
      %dma_start3A_53 = tpu.memref_squeeze %dma_start3A_52 : memref<1x80x125xi32, #tpu.memory_space<hbm>> -> memref<80x125xi32, #tpu.memory_space<hbm>>
      %dma_start3A_54 = arith.constant 0 : i32
      %dma_start3A_55 = arith.constant 0 : i32
      %dma_start3A_56 = tpu.memref_slice %arg2[%add3A, %dma_start3A_54, %dma_start3A_55] : memref<32x80x125xi32, #tpu.memory_space<hbm>> -> memref<1x80x125xi32, #tpu.memory_space<hbm>>
      %dma_start3A_57 = tpu.memref_squeeze %dma_start3A_56 : memref<1x80x125xi32, #tpu.memory_space<hbm>> -> memref<80x125xi32, #tpu.memory_space<hbm>>
      tpu.enqueue_dma source(%dma_start3A_57 : memref<80x125xi32, #tpu.memory_space<hbm>>) target(%arg4 : memref<80x125xi32, #tpu.memory_space<vmem>>) target_semaphore(%run_scoped3A : memref<!tpu.dma_semaphore, #tpu.memory_space<semaphore_mem>>)
      %dma_wait3A = arith.constant 0 : i32
      %dma_wait3A_58 = arith.constant 0 : i32
      %dma_wait3A_59 = tpu.memref_slice %arg2[%add3A, %dma_wait3A, %dma_wait3A_58] : memref<32x80x125xi32, #tpu.memory_space<hbm>> -> memref<1x80x125xi32, #tpu.memory_space<hbm>>
      %dma_wait3A_60 = tpu.memref_squeeze %dma_wait3A_59 : memref<1x80x125xi32, #tpu.memory_space<hbm>> -> memref<80x125xi32, #tpu.memory_space<hbm>>
      %dma_wait3A_61 = arith.constant 0 : i32
      %dma_wait3A_62 = arith.constant 0 : i32
      %dma_wait3A_63 = tpu.memref_slice %arg2[%add3A, %dma_wait3A_61, %dma_wait3A_62] : memref<32x80x125xi32, #tpu.memory_space<hbm>> -> memref<1x80x125xi32, #tpu.memory_space<hbm>>
      %dma_wait3A_64 = tpu.memref_squeeze %dma_wait3A_63 : memref<1x80x125xi32, #tpu.memory_space<hbm>> -> memref<80x125xi32, #tpu.memory_space<hbm>>
      tpu.wait_dma2 semaphore(%run_scoped3A : memref<!tpu.dma_semaphore, #tpu.memory_space<semaphore_mem>>) src(%dma_wait3A_64 : memref<80x125xi32, #tpu.memory_space<hbm>>) dst(%arg4 : memref<80x125xi32, #tpu.memory_space<vmem>>)
      tpu.yield
    }) : () -> ()
    %broadcast_in_dim3A = arith.constant 0.000000e+00 : f32
    %broadcast_in_dim3A_1 = vector.broadcast %broadcast_in_dim3A : f32 to vector<16xf32>
    %broadcast_in_dim3A_2 = arith.constant 1.000000e+00 : f32
    %broadcast_in_dim3A_3 = vector.broadcast %broadcast_in_dim3A_2 : f32 to vector<16xf32>
    %swap3A = arith.constant 0 : index
    %swap3A_4 = tpu.vector_load %arg5[%swap3A] {strides = array<i32>} : memref<128xf32, #tpu.memory_space<vmem>>, vector<16xf32>,
    %swap3A_5 = vector.shape_cast %swap3A_4 : vector<16xf32> to vector<16xf32>
    %swap3A_6 = vector.shape_cast %broadcast_in_dim3A_3 : vector<16xf32> to vector<16xf32>
    tpu.vector_store %arg5[%swap3A], %swap3A_6 {strides = array<i32>} : memref<128xf32, #tpu.memory_space<vmem>>, vector<16xf32>,
    %swap3A_7 = arith.constant 16 : index
    %swap3A_8 = tpu.vector_load %arg5[%swap3A_7] {strides = array<i32>} : memref<128xf32, #tpu.memory_space<vmem>>, vector<16xf32>,
    %swap3A_9 = vector.shape_cast %swap3A_8 : vector<16xf32> to vector<16xf32>
    %swap3A_10 = vector.shape_cast %broadcast_in_dim3A_3 : vector<16xf32> to vector<16xf32>
    tpu.vector_store %arg5[%swap3A_7], %swap3A_10 {strides = array<i32>} : memref<128xf32, #tpu.memory_space<vmem>>, vector<16xf32>,
    %swap3A_11 = arith.constant 32 : index
    %swap3A_12 = tpu.vector_load %arg5[%swap3A_11] {strides = array<i32>} : memref<128xf32, #tpu.memory_space<vmem>>, vector<16xf32>,
    %swap3A_13 = vector.shape_cast %swap3A_12 : vector<16xf32> to vector<16xf32>
    %swap3A_14 = vector.shape_cast %broadcast_in_dim3A_3 : vector<16xf32> to vector<16xf32>
    tpu.vector_store %arg5[%swap3A_11], %swap3A_14 {strides = array<i32>} : memref<128xf32, #tpu.memory_space<vmem>>, vector<16xf32>,
    %swap3A_15 = arith.constant 48 : index
    %swap3A_16 = tpu.vector_load %arg5[%swap3A_15] {strides = array<i32>} : memref<128xf32, #tpu.memory_space<vmem>>, vector<16xf32>,
    %swap3A_17 = vector.shape_cast %swap3A_16 : vector<16xf32> to vector<16xf32>
    %swap3A_18 = vector.shape_cast %broadcast_in_dim3A_3 : vector<16xf32> to vector<16xf32>
    tpu.vector_store %arg5[%swap3A_15], %swap3A_18 {strides = array<i32>} : memref<128xf32, #tpu.memory_space<vmem>>, vector<16xf32>,
    %swap3A_19 = arith.constant 64 : index
    %swap3A_20 = tpu.vector_load %arg5[%swap3A_19] {strides = array<i32>} : memref<128xf32, #tpu.memory_space<vmem>>, vector<16xf32>,
    %swap3A_21 = vector.shape_cast %swap3A_20 : vector<16xf32> to vector<16xf32>
    %swap3A_22 = vector.shape_cast %broadcast_in_dim3A_3 : vector<16xf32> to vector<16xf32>
    tpu.vector_store %arg5[%swap3A_19], %swap3A_22 {strides = array<i32>} : memref<128xf32, #tpu.memory_space<vmem>>, vector<16xf32>,
    %swap3A_23 = arith.constant 80 : index
    %swap3A_24 = tpu.vector_load %arg5[%swap3A_23] {strides = array<i32>} : memref<128xf32, #tpu.memory_space<vmem>>, vector<16xf32>,
    %swap3A_25 = vector.shape_cast %swap3A_24 : vector<16xf32> to vector<16xf32>
    %swap3A_26 = vector.shape_cast %broadcast_in_dim3A_3 : vector<16xf32> to vector<16xf32>
    tpu.vector_store %arg5[%swap3A_23], %swap3A_26 {strides = array<i32>} : memref<128xf32, #tpu.memory_space<vmem>>, vector<16xf32>,
    %swap3A_27 = arith.constant 96 : index
    %swap3A_28 = tpu.vector_load %arg5[%swap3A_27] {strides = array<i32>} : memref<128xf32, #tpu.memory_space<vmem>>, vector<16xf32>,
    %swap3A_29 = vector.shape_cast %swap3A_28 : vector<16xf32> to vector<16xf32>
    %swap3A_30 = vector.shape_cast %broadcast_in_dim3A_3 : vector<16xf32> to vector<16xf32>
    tpu.vector_store %arg5[%swap3A_27], %swap3A_30 {strides = array<i32>} : memref<128xf32, #tpu.memory_space<vmem>>, vector<16xf32>,
    %swap3A_31 = arith.constant 112 : index
    %swap3A_32 = tpu.vector_load %arg5[%swap3A_31] {strides = array<i32>} : memref<128xf32, #tpu.memory_space<vmem>>, vector<16xf32>,
    %swap3A_33 = vector.shape_cast %swap3A_32 : vector<16xf32> to vector<16xf32>
    %swap3A_34 = vector.shape_cast %broadcast_in_dim3A_3 : vector<16xf32> to vector<16xf32>
    tpu.vector_store %arg5[%swap3A_31], %swap3A_34 {strides = array<i32>} : memref<128xf32, #tpu.memory_space<vmem>>, vector<16xf32>,
    %scan3A = arith.constant 0 : i32
    %scan3A_35 = arith.constant 0 : i32
    %scan3A_36 = arith.constant 40 : i32
    %scan3A_37 = arith.addi %scan3A_35, %scan3A_36 : i32
    %scan3A_38 = arith.constant 1 : i32
    %scan3A_39 = scf.for %scan3A_51 = %scan3A_35 to %scan3A_37 step %scan3A_38 iter_args(%scan3A_52 = %scan3A) -> (i32)  : i32 {
      %mul3A_53 = arith.constant 16 : i32
      %mul3A_54 = arith.muli %scan3A_51, %mul3A_53 : i32
      %swap3A_55 = arith.index_cast %mul3A_54 : i32 to index
      %swap3A_56 = tpu.vector_load %arg6[%swap3A_55] {strides = array<i32>} : memref<640xf32, #tpu.memory_space<vmem>>, vector<16xf32>,
      %swap3A_57 = vector.shape_cast %swap3A_56 : vector<16xf32> to vector<16xf32>
      %swap3A_58 = vector.shape_cast %broadcast_in_dim3A_1 : vector<16xf32> to vector<16xf32>
      tpu.vector_store %arg6[%swap3A_55], %swap3A_58 {strides = array<i32>} : memref<640xf32, #tpu.memory_space<vmem>>, vector<16xf32>,
      %scan3A_59 = arith.constant 0 : i32
      scf.yield %scan3A_59 : i32
    }
    %scan3A_40 = arith.constant 40 : i32
    %mul3A_41 = arith.constant 640 : i32
    %mul3A_42 = arith.muli %arg1, %mul3A_41 : i32
    "tpu.region"() ({
      %run_scoped3A = tpu.sem_alloc : memref<!tpu.dma_semaphore, #tpu.memory_space<semaphore_mem>>
      %dma_start3A = tpu.memref_slice %arg7[%mul3A_42] : memref<10240xf32, #tpu.memory_space<vmem_shared>> -> memref<640xf32, #tpu.memory_space<vmem_shared>>
      %dma_start3A_51 = tpu.memref_slice %arg7[%mul3A_42] : memref<10240xf32, #tpu.memory_space<vmem_shared>> -> memref<640xf32, #tpu.memory_space<vmem_shared>>
      tpu.enqueue_dma source(%arg6 : memref<640xf32, #tpu.memory_space<vmem>>) target(%dma_start3A_51 : memref<640xf32, #tpu.memory_space<vmem_shared>>) target_semaphore(%run_scoped3A : memref<!tpu.dma_semaphore, #tpu.memory_space<semaphore_mem>>)
      %dma_wait3A = tpu.memref_slice %arg7[%mul3A_42] : memref<10240xf32, #tpu.memory_space<vmem_shared>> -> memref<640xf32, #tpu.memory_space<vmem_shared>>
      %dma_wait3A_52 = tpu.memref_slice %arg7[%mul3A_42] : memref<10240xf32, #tpu.memory_space<vmem_shared>> -> memref<640xf32, #tpu.memory_space<vmem_shared>>
      tpu.wait_dma2 semaphore(%run_scoped3A : memref<!tpu.dma_semaphore, #tpu.memory_space<semaphore_mem>>) src(%arg6 : memref<640xf32, #tpu.memory_space<vmem>>) dst(%dma_wait3A_52 : memref<640xf32, #tpu.memory_space<vmem_shared>>)
      tpu.yield
    }) : () -> ()
    %barrier3A = arith.constant 0 : index
    tpu.barrier barrier_id(%barrier3A)
    %scan3A_43 = arith.constant 0 : i32
    %scan3A_44 = arith.constant 0 : i32
    %scan3A_45 = arith.constant 80 : i32
    %scan3A_46 = arith.addi %scan3A_44, %scan3A_45 : i32
    %scan3A_47 = arith.constant 1 : i32
    %scan3A_48 = scf.for %scan3A_51 = %scan3A_44 to %scan3A_46 step %scan3A_47 iter_args(%scan3A_52 = %scan3A_43) -> (i32)  : i32 {
      "tpu.region"() ({
        %run_scoped3A = tpu.sem_alloc : memref<!tpu.dma_semaphore, #tpu.memory_space<semaphore_mem>>
        %dma_start3A = arith.constant 0 : i32
        %dma_start3A_54 = tpu.memref_slice %arg5[%dma_start3A] : memref<128xf32, #tpu.memory_space<vmem>> -> memref<125xf32, #tpu.memory_space<vmem>>
        %dma_start3A_55 = arith.constant 0 : i32
        %dma_start3A_56 = tpu.memref_slice %arg4[%scan3A_51, %dma_start3A_55] : memref<80x125xi32, #tpu.memory_space<vmem>> -> memref<1x125xi32, #tpu.memory_space<vmem>>
        %dma_start3A_57 = tpu.memref_squeeze %dma_start3A_56 : memref<1x125xi32, #tpu.memory_space<vmem>> -> memref<125xi32, #tpu.memory_space<vmem>>
        %dma_start3A_58 = arith.constant 0 : i32
        %dma_start3A_59 = tpu.memref_slice %arg7[%dma_start3A_58] : memref<10240xf32, #tpu.memory_space<vmem_shared>> -> memref<10240xf32, #tpu.memory_space<vmem_shared>>
        tpu.enqueue_indirect_dma source(%dma_start3A_54 : memref<125xf32, #tpu.memory_space<vmem>>) target(%dma_start3A_59 : memref<10240xf32, #tpu.memory_space<vmem_shared>>) offsets(%dma_start3A_57 : memref<125xi32, #tpu.memory_space<vmem>>) semaphore(%run_scoped3A : memref<!tpu.dma_semaphore, #tpu.memory_space<semaphore_mem>>) {add = true}
        %dma_wait3A = arith.constant 0 : i32
        %dma_wait3A_60 = tpu.memref_slice %arg5[%dma_wait3A] : memref<128xf32, #tpu.memory_space<vmem>> -> memref<125xf32, #tpu.memory_space<vmem>>
        %dma_wait3A_61 = arith.constant 0 : i32
        %dma_wait3A_62 = tpu.memref_slice %arg4[%scan3A_51, %dma_wait3A_61] : memref<80x125xi32, #tpu.memory_space<vmem>> -> memref<1x125xi32, #tpu.memory_space<vmem>>
        %dma_wait3A_63 = tpu.memref_squeeze %dma_wait3A_62 : memref<1x125xi32, #tpu.memory_space<vmem>> -> memref<125xi32, #tpu.memory_space<vmem>>
        %dma_wait3A_64 = arith.constant 0 : i32
        %dma_wait3A_65 = tpu.memref_slice %arg7[%dma_wait3A_64] : memref<10240xf32, #tpu.memory_space<vmem_shared>> -> memref<10240xf32, #tpu.memory_space<vmem_shared>>
        tpu.wait_indirect_dma semaphore(%run_scoped3A : memref<!tpu.dma_semaphore, #tpu.memory_space<semaphore_mem>>) src(%dma_wait3A_60 : memref<125xf32, #tpu.memory_space<vmem>>) dst(%dma_wait3A_65 : memref<10240xf32, #tpu.memory_space<vmem_shared>>)
        tpu.yield
      }) : () -> ()
      %scan3A_53 = arith.constant 0 : i32
      scf.yield %scan3A_53 : i32
    }
    %scan3A_49 = arith.constant 80 : i32
    %barrier3A_50 = arith.constant 0 : index
    tpu.barrier barrier_id(%barrier3A_50)
    "tpu.region"() ({
      %run_scoped3A = tpu.sem_alloc : memref<!tpu.dma_semaphore, #tpu.memory_space<semaphore_mem>>
      %dma_start3A = tpu.memref_slice %arg3[%arg0, %mul3A_42] : memref<2x10240xf32, #tpu.memory_space<hbm>> -> memref<1x640xf32, #tpu.memory_space<hbm>>
      %dma_start3A_51 = tpu.memref_squeeze %dma_start3A : memref<1x640xf32, #tpu.memory_space<hbm>> -> memref<640xf32, #tpu.memory_space<hbm>>
      %dma_start3A_52 = tpu.memref_slice %arg7[%mul3A_42] : memref<10240xf32, #tpu.memory_space<vmem_shared>> -> memref<640xf32, #tpu.memory_space<vmem_shared>>
      tpu.enqueue_dma source(%dma_start3A_52 : memref<640xf32, #tpu.memory_space<vmem_shared>>) target(%dma_start3A_51 : memref<640xf32, #tpu.memory_space<hbm>>) target_semaphore(%run_scoped3A : memref<!tpu.dma_semaphore, #tpu.memory_space<semaphore_mem>>)
      %dma_wait3A = tpu.memref_slice %arg3[%arg0, %mul3A_42] : memref<2x10240xf32, #tpu.memory_space<hbm>> -> memref<1x640xf32, #tpu.memory_space<hbm>>
      %dma_wait3A_53 = tpu.memref_squeeze %dma_wait3A : memref<1x640xf32, #tpu.memory_space<hbm>> -> memref<640xf32, #tpu.memory_space<hbm>>
      %dma_wait3A_54 = tpu.memref_slice %arg7[%mul3A_42] : memref<10240xf32, #tpu.memory_space<vmem_shared>> -> memref<640xf32, #tpu.memory_space<vmem_shared>>
      tpu.wait_dma2 semaphore(%run_scoped3A : memref<!tpu.dma_semaphore, #tpu.memory_space<semaphore_mem>>) src(%dma_wait3A_54 : memref<640xf32, #tpu.memory_space<vmem_shared>>) dst(%dma_wait3A_53 : memref<640xf32, #tpu.memory_space<hbm>>)
      tpu.yield
    }) : () -> ()
    return
  }
}

module attributes {stable_mosaic.version = 14 : i64} {
  func.func @body(%arg0: i32, %arg1: memref<2048x128xf32, #tpu.memory_space<vmem>>, %arg2: memref<128x128xf32, #tpu.memory_space<vmem>>, %arg3: memref<2048x2xf32, #tpu.memory_space<vmem>>, %arg4: memref<2048x128xf32, #tpu.memory_space<vmem>>) attributes {dimension_semantics = [#tpu.dimension_semantics<arbitrary>], iteration_bounds = array<i64: 5>, scalar_prefetch = 0 : i64, scratch_operands = 0 : i64, tpu.core_type = #tpu.core_type<tc>, window_params = [{transform_indices = @transform_0, window_bounds = array<i64: 2048, 128>}, {pipeline_mode = #tpu.pipeline_mode<synchronous>, transform_indices = @transform_1, window_bounds = array<i64: 128, 128>}, {transform_indices = @transform_2, window_bounds = array<i64: 2048, 2>}, {transform_indices = @transform_3, window_bounds = array<i64: 2048, 128>}]} {
    %get3A = arith.constant 0 : index
    %get3A_0 = arith.constant 0 : index
    %get3A_1 = vector.load %arg3[%get3A, %get3A_0] : memref<2048x2xf32, #tpu.memory_space<vmem>>, vector<2048x2xf32>
    %reduce_sum3A = arith.constant dense<0.000000e+00> : vector<2048xf32>
    %reduce_sum3A_2 = vector.multi_reduction <add>, %get3A_1, %reduce_sum3A [1] : vector<2048x2xf32> to vector<2048xf32>
    %broadcast_in_dim3A = vector.shape_cast %reduce_sum3A_2 : vector<2048xf32> to vector<2048x1xf32>
    %add3A = arith.constant 1.000000e+00 : f32
    %add3A_3 = vector.broadcast %add3A : f32 to vector<2048x1xf32>
    %add3A_4 = arith.addf %broadcast_in_dim3A, %add3A_3 : vector<2048x1xf32>
    %rsqrt3A = math.rsqrt %add3A_4 : vector<2048x1xf32>
    %get3A_5 = arith.constant 0 : index
    %get3A_6 = arith.constant 0 : index
    %get3A_7 = vector.load %arg1[%get3A_5, %get3A_6] : memref<2048x128xf32, #tpu.memory_space<vmem>>, vector<2048x128xf32>
    %get3A_8 = arith.constant 0 : index
    %get3A_9 = arith.constant 0 : index
    %get3A_10 = vector.load %arg2[%get3A_8, %get3A_9] : memref<128x128xf32, #tpu.memory_space<vmem>>, vector<128x128xf32>
    %dot_general3A = arith.constant dense<0.000000e+00> : vector<2048x128xf32>
    %dot_general3A_11 = tpu.matmul %get3A_7, %get3A_10, %dot_general3A {dimension_numbers = #tpu.dot_dimension_numbers<[1], [1], [0], [0], [0, 0, 1, 0], [], []>, transpose_lhs_hint = false} : vector<2048x128xf32>, vector<128x128xf32>, vector<2048x128xf32> -> vector<2048x128xf32>
    %mul3A = vector.broadcast %rsqrt3A : vector<2048x1xf32> to vector<2048x128xf32>
    %mul3A_12 = arith.mulf %dot_general3A_11, %mul3A : vector<2048x128xf32>
    %swap3A = arith.constant 0 : index
    %swap3A_13 = arith.constant 0 : index
    %swap3A_14 = vector.load %arg4[%swap3A, %swap3A_13] : memref<2048x128xf32, #tpu.memory_space<vmem>>, vector<2048x128xf32>
    tpu.vector_store %arg4[%swap3A, %swap3A_13], %mul3A_12 {strides = array<i32>} : memref<2048x128xf32, #tpu.memory_space<vmem>>, vector<2048x128xf32>,
    return
  }
  func.func @transform_0(%arg0: i32) -> (i32, i32) {
    %c0_i32 = arith.constant 0 : i32
    %c0_i32_0 = arith.constant 0 : i32
    return %arg0, %c0_i32 : i32, i32
  }
  func.func @transform_1(%arg0: i32) -> (i32, i32) {
    %c0_i32 = arith.constant 0 : i32
    %c0_i32_0 = arith.constant 0 : i32
    %c0_i32_1 = arith.constant 0 : i32
    return %c0_i32, %c0_i32_0 : i32, i32
  }
  func.func @transform_2(%arg0: i32) -> (i32, i32) {
    %c0_i32 = arith.constant 0 : i32
    %c0_i32_0 = arith.constant 0 : i32
    return %arg0, %c0_i32 : i32, i32
  }
  func.func @transform_3(%arg0: i32) -> (i32, i32) {
    %c0_i32 = arith.constant 0 : i32
    %c0_i32_0 = arith.constant 0 : i32
    return %arg0, %c0_i32 : i32, i32
  }
}

module attributes {stable_mosaic.version = 14 : i64} {
  func.func @body(%arg0: i32, %arg1: memref<2x2000x128xf32, #tpu.memory_space<vmem>>, %arg2: memref<2000x128xf32, #tpu.memory_space<vmem>>, %arg3: memref<2000x2xf32, #tpu.memory_space<vmem>>, %arg4: memref<1x128xf32, #tpu.memory_space<vmem>>, %arg5: memref<2000x128xf32, #tpu.memory_space<vmem>>) attributes {dimension_semantics = [#tpu.dimension_semantics<arbitrary>], iteration_bounds = array<i64: 5>, scalar_prefetch = 0 : i64, scratch_operands = 0 : i64, tpu.core_type = #tpu.core_type<tc>, window_params = [{transform_indices = @transform_0, window_bounds = array<i64: 2, 2000, 128>}, {transform_indices = @transform_1, window_bounds = array<i64: 2000, 128>}, {transform_indices = @transform_2, window_bounds = array<i64: 2000, 2>}, {pipeline_mode = #tpu.pipeline_mode<synchronous>, transform_indices = @transform_3, window_bounds = array<i64: 1, 128>}, {transform_indices = @transform_4, window_bounds = array<i64: 2000, 128>}]} {
    %get3A = arith.constant 0 : index
    %get3A_0 = arith.constant 0 : index
    %get3A_1 = vector.load %arg3[%get3A, %get3A_0] : memref<2000x2xf32, #tpu.memory_space<vmem>>, vector<2000x2xf32>
    %reduce_sum3A = arith.constant dense<0.000000e+00> : vector<2000xf32>
    %reduce_sum3A_2 = vector.multi_reduction <add>, %get3A_1, %reduce_sum3A [1] : vector<2000x2xf32> to vector<2000xf32>
    %broadcast_in_dim3A = vector.shape_cast %reduce_sum3A_2 : vector<2000xf32> to vector<2000x1xf32>
    %add3A = arith.constant 1.000000e+00 : f32
    %add3A_3 = vector.broadcast %add3A : f32 to vector<2000x1xf32>
    %add3A_4 = arith.addf %broadcast_in_dim3A, %add3A_3 : vector<2000x1xf32>
    %rsqrt3A = math.rsqrt %add3A_4 : vector<2000x1xf32>
    %get3A_5 = arith.constant 0 : index
    %get3A_6 = arith.constant 0 : index
    %get3A_7 = arith.constant 0 : index
    %get3A_8 = vector.load %arg1[%get3A_5, %get3A_6, %get3A_7] : memref<2x2000x128xf32, #tpu.memory_space<vmem>>, vector<1x2000x128xf32>
    %get3A_9 = vector.shape_cast %get3A_8 : vector<1x2000x128xf32> to vector<2000x128xf32>
    %get3A_10 = arith.constant 1 : index
    %get3A_11 = arith.constant 0 : index
    %get3A_12 = arith.constant 0 : index
    %get3A_13 = vector.load %arg1[%get3A_10, %get3A_11, %get3A_12] : memref<2x2000x128xf32, #tpu.memory_space<vmem>>, vector<1x2000x128xf32>
    %get3A_14 = vector.shape_cast %get3A_13 : vector<1x2000x128xf32> to vector<2000x128xf32>
    %add3A_15 = arith.addf %get3A_9, %get3A_14 : vector<2000x128xf32>
    %get3A_16 = arith.constant 0 : index
    %get3A_17 = arith.constant 0 : index
    %get3A_18 = vector.load %arg2[%get3A_16, %get3A_17] : memref<2000x128xf32, #tpu.memory_space<vmem>>, vector<2000x128xf32>
    %sub3A = arith.subf %add3A_15, %get3A_18 : vector<2000x128xf32>
    %mul3A = vector.broadcast %rsqrt3A : vector<2000x1xf32> to vector<2000x128xf32>
    %mul3A_19 = arith.mulf %sub3A, %mul3A : vector<2000x128xf32>
    %get3A_20 = arith.constant 0 : index
    %get3A_21 = arith.constant 0 : index
    %get3A_22 = vector.load %arg4[%get3A_20, %get3A_21] : memref<1x128xf32, #tpu.memory_space<vmem>>, vector<1x128xf32>
    %add3A_23 = vector.broadcast %get3A_22 : vector<1x128xf32> to vector<2000x128xf32>
    %add3A_24 = arith.addf %mul3A_19, %add3A_23 : vector<2000x128xf32>
    %max3A = arith.constant 0.000000e+00 : f32
    %max3A_25 = vector.broadcast %max3A : f32 to vector<2000x128xf32>
    %max3A_26 = arith.maximumf %add3A_24, %max3A_25 : vector<2000x128xf32>
    %swap3A = arith.constant 0 : index
    %swap3A_27 = arith.constant 0 : index
    %swap3A_28 = vector.load %arg5[%swap3A, %swap3A_27] : memref<2000x128xf32, #tpu.memory_space<vmem>>, vector<2000x128xf32>
    tpu.vector_store %arg5[%swap3A, %swap3A_27], %max3A_26 {strides = array<i32>} : memref<2000x128xf32, #tpu.memory_space<vmem>>, vector<2000x128xf32>,
    return
  }
  func.func @transform_0(%arg0: i32) -> (i32, i32, i32) {
    %c0_i32 = arith.constant 0 : i32
    %c0_i32_0 = arith.constant 0 : i32
    %c0_i32_1 = arith.constant 0 : i32
    return %c0_i32, %arg0, %c0_i32_0 : i32, i32, i32
  }
  func.func @transform_1(%arg0: i32) -> (i32, i32) {
    %c0_i32 = arith.constant 0 : i32
    %c0_i32_0 = arith.constant 0 : i32
    return %arg0, %c0_i32 : i32, i32
  }
  func.func @transform_2(%arg0: i32) -> (i32, i32) {
    %c0_i32 = arith.constant 0 : i32
    %c0_i32_0 = arith.constant 0 : i32
    return %arg0, %c0_i32 : i32, i32
  }
  func.func @transform_3(%arg0: i32) -> (i32, i32) {
    %c0_i32 = arith.constant 0 : i32
    %c0_i32_0 = arith.constant 0 : i32
    %c0_i32_1 = arith.constant 0 : i32
    return %c0_i32, %c0_i32_0 : i32, i32
  }
  func.func @transform_4(%arg0: i32) -> (i32, i32) {
    %c0_i32 = arith.constant 0 : i32
    %c0_i32_0 = arith.constant 0 : i32
    return %arg0, %c0_i32 : i32, i32
  }
}

</mosaic_0001>

<sc_bundles>
// kernel: kernel.6.cloned.1.call-start
scs
__scs_entry_jumppad:
0x0: {  	(pc) =	sbr.rel $0x88, $3  }
0x1: {  	(tag) =	ssettag $0x0;
	lr =	simm.s32 $0x1  }
0x2: {  	[smem:$0x3F9D] =	sst lr;
	_ =	strace $0xD0000000  }
0x3: {  	_ = 	snop  }
0x4: {  	_ = 	snop  }
0x5: {  	_ = 	snop  }
0x6: {  	_ = 	snop  }
0x7: {  	_ = 	snop  }
__scs_overlays_trampoline_lowered:
0x8: {  	[smem:$0x3FAC] =	sst s0  }
0x9: {  	[smem:$0x3FAD] =	sst s1  }
0xa: {  	[smem:$0x3FAE] =	sst s2  }
0xb: {  	[smem:$0x3FAF] =	sst s3  }
0xc: {  	[smem:$0x3FB0] =	sst s4  }
0xd: {  	[smem:$0x3FB1] =	sst s5  }
0xe: {  	[smem:$0x3FB2] =	sst s6  }
0xf: {  	[smem:$0x3FB3] =	sst s7  }
0x10: {  	[smem:$0x3FB4] =	sst s8  }
0x11: {  	[smem:$0x3FB5] =	sst s9;
	s0 =	simm.s32 @!p0 $0x0  }
0x12: {  	s1 =	sld [smem:$0x3F9B];
	s0 =	simm.s32 @p0 $0x1  }
0x13: {  	[smem:$0x3FB6] =	sst s0;
	s0 =	simm.s32 @!p1 $0x0  }
0x14: {  	s2 =	sld [smem:$0x3F9A];
	s0 =	simm.s32 @p1 $0x1  }
0x15: {  	[smem:$0x3FB7] =	sst s0;
	s0 =	simm.s32 @!p2 $0x0  }
0x16: {  	s3 =	sld [smem:$0x3FDB];
	s0 =	simm.s32 @p2 $0x1  }
0x17: {  	s4 =	simm.s32 $0x1BF5;
	[smem:$0x3FB9] =	sst s0  }
0x18: {  	s0 =	sld [smem:$0x3F9C];
	_ =	swait.ge [sflag:s4], $0x0  }
0x19: {  	s7 =	sld [smem:$0x3F9D]  }
0x1a: {  	s8 =	sadd.s32 $0xFFFFE003, lr  }
0x1b: {  	s9 =	sadd.s32 $0xFFFFFEF7, lr;
	s5 =	simm.s32 $0xFFFFFFFF;
	p2 =	slt.u32 s8, $0xFFFFF086  }
0x1c: {  	p1 =	slt.u32 s9, $0xF7A;
	s5 =	simm.s32 @!p2 $0x0  }
0x1d: {  	s5 =	simm.s32 @p1 $0x1;
	p0 =	seq.s32 s7, s2  }
0x1e: {  	s7 =	smul.u32 @!p0 $0xF7A, s2;
	p2 =	seq.s32 @!p0 s5, $0x0  }
0x1f: {  	s9 =	smul.u32 $0xF7A, s1;
	s8 =	simm.s32 @!p0 $0x1BF5;
	p2 =	por !p2, p0  }
0x20: {  	[sflag:s8] =	ssyncset.s32 @!p0 $0xFFFFF086;
	s6 =	sadd.s32 @!p0 s3, s7;
	s7 =	simm.s32 @!p0 $0x108  }
0x21: {  	s3 =	sadd.s32 s3, s9;
	s6 =	sadd.s32 @!p0 $0x88, s6;
	s7 =	simm.s32 @p2 $0x1082  }
0x22: {  	[simem:s7], [sflag:s8] =	dma.local @!p0 [hbm:s6], $0xF7A  }
0x23: {  	s9 =	sor.u32 $0xD0000000, s2;
	s6 =	simm.s32 $0x108;
	_ =	swait.ge @!p0 [sflag:s8], $0x0  }
0x24: {  	s3 =	sadd.s32 $0x88, s3;
	s6 =	simm.s32 @!p1 $0x1082;
	[sflag:s4] =	ssyncset.s32 $0xFFFFF086  }
0x25: {  	[simem:s6], [sflag:s4] =	dma.local [hbm:s3], $0xF7A  }
0x26: {  	[smem:$0x3F9D] =	sst s1;
	(tag) =	ssettag s2;
	_ =	strace s9  }
0x27: {  	s1 =	sld [smem:$0x3FAD]  }
0x28: {  	s2 =	sld [smem:$0x3FAE]  }
0x29: {  	s4 =	sld [smem:$0x3FB0]  }
0x2a: {  	p0 =	seq.s32 s5, $0x0;
	s5 =	sld [smem:$0x3FB1]  }
0x2b: {  	s6 =	sld [smem:$0x3FB2]  }
0x2c: {  	s7 =	sld [smem:$0x3FB3]  }
0x2d: {  	s3 =	simm.s32 $0x108;
	s8 =	sld [smem:$0x3FB4]  }
0x2e: {  	s3 =	simm.s32 @!p0 $0x1082;
	s9 =	sld [smem:$0x3FB5]  }
0x2f: {  	lr =	sadd.s32 s0, s3;
	s0 =	sld [smem:$0x3FAC]  }
0x30: {  	s3 =	sld [smem:$0x3FAF]  }
0x31: {  	[smem:$0x3FB8] =	sst s10  }
0x32: {  	s10 =	sld [smem:$0x3FB6];
	_ =	sdelay $0x3  }
0x33: {  	p0 =	seq.s32 s10, $0x1;
	s10 =	sld [smem:$0x3FB8];
	_ =	sdelay $0x3  }
0x34: {  	[smem:$0x3FB8] =	sst s10  }
0x35: {  	s10 =	sld [smem:$0x3FB7];
	_ =	sdelay $0x3  }
0x36: {  	p1 =	seq.s32 s10, $0x1;
	s10 =	sld [smem:$0x3FB8];
	_ =	sdelay $0x3  }
0x37: {  	[smem:$0x3FB8] =	sst s10  }
0x38: {  	s10 =	sld [smem:$0x3FB9]  }
0x39: {  	_ = 	snop;
	(pc) =	sbr.ind lr, $3  }
0x3a: {  	_ = 	snop  }
0x3b: {  	_ = 	snop  }
0x3c: {  	p2 =	seq.s32 s10, $0x1;
	s10 =	sld [smem:$0x3FB8]  }
0x3d: {  	_ =	shalt  }
0x3e: {  	_ =	shalt  }
0x3f: {  	_ =	shalt  }
0x40: {  	_ =	shalt  }
0x41: {  	_ =	shalt  }
0x42: {  	_ =	shalt  }
0x43: {  	_ =	shalt  }
0x44: {  	_ =	shalt  }
0x45: {  	_ =	shalt  }
0x46: {  	_ =	shalt  }
0x47: {  	_ =	shalt  }
0x48: {  	_ =	shalt  }
0x49: {  	_ =	shalt  }
0x4a: {  	_ =	shalt  }
0x4b: {  	_ =	shalt  }
0x4c: {  	_ =	shalt  }
0x4d: {  	_ =	shalt  }
0x4e: {  	_ =	shalt  }
0x4f: {  	_ =	shalt  }
0x50: {  	_ =	shalt  }
0x51: {  	_ =	shalt  }
0x52: {  	_ =	shalt  }
0x53: {  	_ =	shalt  }
0x54: {  	_ =	shalt  }
0x55: {  	_ =	shalt  }
0x56: {  	_ =	shalt  }
0x57: {  	_ =	shalt  }
0x58: {  	_ =	shalt  }
0x59: {  	_ =	shalt  }
0x5a: {  	_ =	shalt  }
0x5b: {  	_ =	shalt  }
0x5c: {  	_ =	shalt  }
0x5d: {  	_ =	shalt  }
0x5e: {  	_ =	shalt  }
0x5f: {  	_ =	shalt  }
0x60: {  	_ =	shalt  }
0x61: {  	_ =	shalt  }
0x62: {  	_ =	shalt  }
0x63: {  	_ =	shalt  }
0x64: {  	_ =	shalt  }
0x65: {  	_ =	shalt  }
0x66: {  	_ =	shalt  }
0x67: {  	_ =	shalt  }
0x68: {  	_ =	shalt  }
0x69: {  	_ =	shalt  }
0x6a: {  	_ =	shalt  }
0x6b: {  	_ =	shalt  }
0x6c: {  	_ =	shalt  }
0x6d: {  	_ =	shalt  }
0x6e: {  	_ =	shalt  }
0x6f: {  	_ =	shalt  }
0x70: {  	_ =	shalt  }
0x71: {  	_ =	shalt  }
0x72: {  	_ =	shalt  }
0x73: {  	_ =	shalt  }
0x74: {  	_ =	shalt  }
0x75: {  	_ =	shalt  }
0x76: {  	_ =	shalt  }
0x77: {  	_ =	shalt  }
0x78: {  	_ =	shalt  }
0x79: {  	_ =	shalt  }
0x7a: {  	_ =	shalt  }
0x7b: {  	_ =	shalt  }
0x7c: {  	_ =	shalt  }
0x7d: {  	_ =	shalt  }
0x7e: {  	_ =	shalt  }
0x7f: {  	_ =	shalt  }
0x80: {  	_ =	shalt  }
0x81: {  	_ =	shalt  }
0x82: {  	_ =	shalt  }
0x83: {  	_ =	shalt  }
0x84: {  	_ =	shalt  }
0x85: {  	_ =	shalt  }
0x86: {  	_ =	shalt  }
0x87: {  	_ =	shalt  }
.Lfunc_end0:
.L_simem_size_0:
called_computation_lowered:
.L_overlay_start_0:
0x88: {  	s2 =	sld [smem:$0x3FD9]  }
0x89: {  	s3 =	sld [smem:$0x3FFE];
	_ =	sdelay $0x1  }
0x8a: {  	s1 =	srdreg.scid  }
0x8b: {  	s0 =	sand.u32 $0x1, s1  }
0x8c: {  	s16 =	sshll.u32 s0, $0xA;
	s2 =	sadd.s32 s3, s2  }
0x8d: {  	s2 =	sadd.s32 s2, s16  }
0x8e: {  	[smem:$0x3FC4] =	sst s2  }
0x8f: {  	_ = 	snop  }
0x90: {  	(tm) =	ssettm $0x1  }
0x91: {  	s17 =	sld [smem:$0x3FFB];
	_ =	sdelay $0x3  }
0x92: {  	_ =	strace s17  }
0x93: {  	s2 =	sld [smem:$0x3FFC];
	_ =	sdelay $0x3  }
0x94: {  	_ =	strace s2  }
0x95: {  	s2 =	sld [smem:$0x3FFD];
	_ =	sdelay $0x3  }
0x96: {  	_ =	strace s2  }
0x97: {  	_ =	strace $0x8FFFFFFF  }
0x98: {  	s18 =	sld [smem:$0x3FDB];
	_ =	sdelay $0x1  }
0x99: {  	s19 =	simm.s32 $_scs_section_size  }
0x9a: {  	s4 =	simm.s32 $_size__tile_overlayer_lowered;
	s5 =	simm.s32 $_tile_overlayer_lowered  }
0x9b: {  	s22 =	simm.s32 $0x1BFF;
	s21 =	sshll.u32 s5, $0x1;
	s2 =	sadd.s32 s19, s18  }
0x9c: {  	s6 =	simm.s32 $0x0;
	s20 =	sshll.u32 s4, $0x1;
	s4 =	sadd.s32 s21, s2  }
0x9d: {  	[timem:s6], [sflag:s22] =	dma.local [hbm:s4], s20  }
0x9e: {  	_ =	swait.ge [sflag:s22], s20  }
0x9f: {  	s3 =	ssub.s32 $0x0, s20;
	[sflag:s22] =	ssyncset.done $0x0  }
0xa0: {  	[sflag:s22] =	ssyncadd.s32 s3;
	_ =	sdelay $0x1  }
0xa1: {  	s23 =	simm.s32 $0x1B8B  }
0xa2: {  	_ =	swait.ge [sflag:s23], $0x1  }
0xa3: {  	[sflag:s23] =	ssyncset.done $0x0  }
0xa4: {  	s25 =	simm.s32 $0x1B8E;
	s24 =	sld [smem:$0x3FFE];
	[sflag:s23] =	ssyncadd.s32 $0xFFFFFFFF  }
0xa5: {  	s26 =	simm.s32 $execute0_lowered;
	[smem:$0x3FD2] =	sst s25  }
0xa6: {  	s4 =	sshll.u32 s26, $0x1;
	_ =	strace $0x80000046;
	[dreg:$0x1] =	wrdreg $0xFFFFFFFF  }
0xa7: {  	s28 =	simm.s32 $_size_execute0_lowered;
	s2 =	sadd.s32 s2, s4;
	[dreg:$0x0] =	wrdreg $0x0  }
0xa8: {  	s4 =	sshll.u32 s28, $0x1;
	[dreg:$0x2] =	wrdreg s2  }
0xa9: {  	[dreg:$0x3] =	wrdreg s4  }
0xaa: {  	[dreg:$0x4] =	wrdreg $0xC0  }
0xab: {  	_ =	task [dreg:s6], $0x5FFFF  }
0xac: {  	[dreg:$0x1] =	wrdreg $0xFFFFFFFF  }
0xad: {  	[dreg:$0x0] =	wrdreg $0x60  }
0xae: {  	[dreg:$0x2] =	wrdreg s24  }
0xaf: {  	[dreg:$0x3] =	wrdreg $0x2B000  }
0xb0: {  	[dreg:$0x4] =	wrdreg $0x9  }
0xb1: {  	_ =	task.clear_ibuf [dreg:s6], $0x5FFFF;
	_ =	strace $0x90000046  }
0xb2: {  	s29 =	simm.s32 $0x9;
	_ =	strace $0x80000048  }
0xb3: {  	_ =	swait.ge [sflag:s29], $0x1  }
0xb4: {  	[sflag:s29] =	ssyncadd.s32 $0xFFFFFFFF  }
0xb5: {  	_ =	strace $0x90000048  }
0xb6: {  	_ =	sfence  }
0xb7: {  	s30 =	sld [smem:$0x0];
	_ =	sdelay $0x2  }
0xb8: {  	s31 =	sshll.u32 s1, $0xD;
	s1 =	sshrl.u32 s1, $0x2  }
0xb9: {  	s3 =	sand.u32 $0x4000, s31;
	s1 =	sadd.s32 s1, s30  }
0xba: {  	s0 =	sor.u32 s3, s0;
	s1 =	sshll.u32 s1, $0x11  }
0xbb: {  	s0 =	sor.u32 s1, s0  }
0xbc: {  	s0 =	sadd.s32 $0x8F2B, s0  }
0xbd: {  	[sflag:s0] =	ssyncadd.remote.s32 $0x1  }
0xbe: {  	_ =	sfence.sel $0xFFFF  }
0xbf: {  	[dreg:$0x0] =	wrdreg $0xFFFFFFFF;
	(pc) =	sbr.abs _section_cstart, $3  }
0xc0: {  	[dreg:$0x1] =	wrdreg $0xFFFFFFFF  }
0xc1: {  	_ =	task.clear_ibuf [dreg:s6], $0x2FFFF;
	_ =	strace $0x9FFFFFFF  }
0xc2: {  	(tm) =	ssettm $0x7FFFFFFF  }
0xc3: {  	_ =	shalt  }
tec
execute0_lowered:
.L_overlay_start_1:
0x0: {  	(tag) =	ssettag $0x1  }
0x1: {  	s4 =	rddreg [dreg:$0x0]  }
0x2: {  	s2 =	rddreg [dreg:$0x1]  }
0x3: {  	s3 =	srdreg.scid;
	s1 =	stileid.u32  }
0x4: {  	s0 =	rddreg [dreg:$0x2];
	s10 =	simm.s32 $0x7D;
	s11 =	simm.s32 $0x2800  }
0x5: {  	s14 =	simm.s32 $0x20;
	s15 =	simm.s32 $0x10;
	s16 =	simm.s32 $0x0  }
0x6: {  	s5 =	sand.u32 $0x1, s3;
	s6 =	sshll.u32 s1, $0x1;
	s7 =	smul.u32 $0x500, s1  }
0x7: {  	s3 =	simm.s32 $0x0;
	s30 =	smul.u32 $0xA00, s1;
	s12 =	sshll.u32 s1, $0x6  }
0x8: {  	s6 =	sor.u32 s5, s6;
	[smem:$0x7FF] =	sst s3;
	s8 =	sshll.u32 s5, $0x7  }
0x9: {  	s5 =	ssub.s32 $0x2, s5;
	s12 =	sor.u32 $0x1C01, s12;
	s6 =	smul.u32 $0x500, s6  }
0xa: {  	_ =	strace $0x80000047;
	s7 =	sor.u32 s8, s7;
	s31 =	sshrl.u32 s5, $0x1  }
0xb: {  	s8 =	sshrl.u32 s30, $0x2;
	s7 =	sshrl.u32 s7, $0x3;
	s9 =	ssub.s32 s5, s31  }
0xc: {  	s5 =	sadd.s32 s8, s2;
	s8 =	simm.s32 $0x1;
	s6 =	sadd.s32 s6, s4  }
0xd: {  	s7 =	sadd.s32 s7, s4;
	s13 =	sshrl.u32 s5, $0x3;
	s4 =	sadd.s32 $0x1200, s6  }
0xe: {  	v0 =	vimm.f32 $1.000000000e+00;
	v1 =	vimm.f32 $0.0e+00;
	s6 =	sadd.s32 $0xB200, s7;
	s7 =	smax.u32 s9, $0x1;
	s9 =	simm.s32 $0x2880  }
.LBB2_1:
0xf: {  	[tilespmem:s3], [sflag:$0x1] =	stream.linear.gather [hbm4b:s4+s3], $0x2800, $0x38;
	[tilespmem:$0x2D80] =	vst v63  }
0x10: {  	_ =	swait.ge [sflag:s8], $0x2800  }
0x11: {  	[sflag:s8] =	ssyncset.done $0x0  }
0x12: {  	[sflag:s8] =	ssyncadd.s32 $0xFFFFD800  }
0x13: {  	[tilespmem:$0x2800] =	vst v0  }
0x14: {  	[tilespmem:$0x2810] =	vst v0  }
0x15: {  	[tilespmem:$0x2820] =	vst v0  }
0x16: {  	[tilespmem:$0x2830] =	vst v0  }
0x17: {  	[tilespmem:$0x2840] =	vst v0  }
0x18: {  	[tilespmem:$0x2850] =	vst v0  }
0x19: {  	[tilespmem:$0x2860] =	vst v0  }
0x1a: {  	[tilespmem:$0x2870] =	vst v0  }
0x1b: {  	[tilespmem:$0x2880] =	vst v1  }
0x1c: {  	[tilespmem:$0x2890] =	vst v1  }
0x1d: {  	[tilespmem:$0x28A0] =	vst v1  }
0x1e: {  	[tilespmem:$0x28B0] =	vst v1  }
0x1f: {  	[tilespmem:$0x28C0] =	vst v1  }
0x20: {  	[tilespmem:$0x28D0] =	vst v1  }
0x21: {  	[tilespmem:$0x28E0] =	vst v1  }
0x22: {  	[tilespmem:$0x28F0] =	vst v1  }
0x23: {  	[tilespmem:$0x2900] =	vst v1  }
0x24: {  	[tilespmem:$0x2910] =	vst v1  }
0x25: {  	[tilespmem:$0x2920] =	vst v1  }
0x26: {  	[tilespmem:$0x2930] =	vst v1  }
0x27: {  	[tilespmem:$0x2940] =	vst v1  }
0x28: {  	[tilespmem:$0x2950] =	vst v1  }
0x29: {  	[tilespmem:$0x2960] =	vst v1  }
0x2a: {  	[tilespmem:$0x2970] =	vst v1  }
0x2b: {  	[tilespmem:$0x2980] =	vst v1  }
0x2c: {  	[tilespmem:$0x2990] =	vst v1  }
0x2d: {  	[tilespmem:$0x29A0] =	vst v1  }
0x2e: {  	[tilespmem:$0x29B0] =	vst v1  }
0x2f: {  	[tilespmem:$0x29C0] =	vst v1  }
0x30: {  	[tilespmem:$0x29D0] =	vst v1  }
0x31: {  	[tilespmem:$0x29E0] =	vst v1  }
0x32: {  	[tilespmem:$0x29F0] =	vst v1  }
0x33: {  	[tilespmem:$0x2A00] =	vst v1  }
0x34: {  	[tilespmem:$0x2A10] =	vst v1  }
0x35: {  	[tilespmem:$0x2A20] =	vst v1  }
0x36: {  	[tilespmem:$0x2A30] =	vst v1  }
0x37: {  	[tilespmem:$0x2A40] =	vst v1  }
0x38: {  	[tilespmem:$0x2A50] =	vst v1  }
0x39: {  	[tilespmem:$0x2A60] =	vst v1  }
0x3a: {  	[tilespmem:$0x2A70] =	vst v1  }
0x3b: {  	[tilespmem:$0x2A80] =	vst v1  }
0x3c: {  	[tilespmem:$0x2A90] =	vst v1  }
0x3d: {  	[tilespmem:$0x2AA0] =	vst v1  }
0x3e: {  	[tilespmem:$0x2AB0] =	vst v1  }
0x3f: {  	[tilespmem:$0x2AC0] =	vst v1  }
0x40: {  	[tilespmem:$0x2AD0] =	vst v1  }
0x41: {  	[tilespmem:$0x2AE0] =	vst v1  }
0x42: {  	[tilespmem:$0x2AF0] =	vst v1  }
0x43: {  	[spmem:s5] =	stream.linear.scatter [tilespmem:s9], [sflag:$0x1], $0x280, $0x38;
	[tilespmem:$0x2D80] =	vst v63  }
0x44: {  	_ =	swait.ge [sflag:s8], $0x280  }
0x45: {  	[sflag:s8] =	ssyncset.done $0x0  }
0x46: {  	[sflag:s8] =	ssyncadd.s32 $0xFFFFFD80  }
0x47: {  	s17 =	simm.s32 $0x0;
	[bflag:$0x0] =	sbarrier.arrive $0xFFFF  }
0x48: {  	[spmem:s2] =	stream.indirect.scatter.add.f32 [tilespmem:s11], [sflag:$0x1], $0x1, s17, s10, $0xb8;
	[tilespmem:$0x2D80] =	vst v63  }
0x49: {  	_ =	swait.ge [sflag:s8], $0x7D  }
0x4a: {  	s17 =	simm.s32 $0x200;
	[sflag:s8] =	ssyncset.done $0x0  }
.LBB2_2:
0x4b: {  	s18 =	sshra.s32 s17, $0x2;
	[sflag:s8] =	ssyncadd.s32 $0xFFFFFF83;
	p0 =	sne.s32 s17, $0x9E00  }
0x4c: {  	[spmem:s2] =	stream.indirect.scatter.add.f32 [tilespmem:s11], [sflag:$0x1], $0x1, s18, s10, $0xb8;
	[tilespmem:$0x2D80] =	vst v63  }
.Ltmp0:
0x4d: {  	_ = 	snop;
	(pc) =	sbr.rel @p0 .LBB2_2-.Ltmp0, $4  }
0x4e: {  	_ = 	snop  }
0x4f: {  	s17 =	sadd.s32 $0x200, s17  }
0x50: {  	_ =	swait.ge [sflag:s8], $0x7D  }
0x51: {  	[sflag:s8] =	ssyncset.done $0x0  }
0x52: {  	s16 =	sadd.s32 $0x1, s16  }
0x53: {  	[sflag:s8] =	ssyncadd.s32 $0xFFFFFF83;
	p0 =	sne.s32 s16, s7  }
.Ltmp1:
0x54: {  	[bflag:$0x0] =	sbarrier.arrive $0xFFFF;
	(pc) =	sbr.rel @p0 .LBB2_1-.Ltmp1, $4  }
0x55: {  	[hbm:s6@s14], [sflag:s12] =	dma.strided [spmem:s13@s15], $0x50, s8, $0x10   }
0x56: {  	_ =	swait.ge [sflag:s8], $0x50  }
0x57: {  	[sflag:s8] =	ssyncset.done $0x0  }
0x58: {  	[sflag:s8] =	ssyncadd.s32 $0xFFFFFFB0  }
0x59: {  	_ =	sfence.sel $0x180000  }
0x5a: {  	[bflag:$0x0] =	sbarrier.arrive $0xFFFF  }
0x5b: {  	p0 =	sne.s32 s1, $0x0;
	_ =	strace $0x90000047  }
0x5c: {  	s0 =	sadd.s32 @!p0 $0x100000, s0;
	[bflag:$0x2] =	sbarrier.arrive $0xFFFF  }
0x5d: {  	[sflag:s0] =	ssyncadd.tile.s32 @!p0 $0x1;
	_ =	shalt  }
.Lfunc_end2:
_tile_overlayer_lowered:
.L_overlay_start_2:
0x5e: {  	(tag) =	ssettag $0x2  }
0x5f: {  	s0 =	rddreg [dreg:$0x0];
	s2 =	stileid.u32  }
0x60: {  	s1 =	rddreg [dreg:$0x1];
	p0 =	sne.s32 s2, $0x0  }
0x61: {  	s3 =	rddreg [dreg:$0x2];
	[bflag:$0x3] =	sbarrier.arrive $0xFFFF;
	s2 =	simm.s32 @!p0 $0x1C01  }
0x62: {  	[timem:s3], [sflag:s2] =	dma.local @!p0 [hbm:s0], s1  }
0x63: {  	s0 =	simm.s32 @!p0 $0x1  }
0x64: {  	_ =	swait.ge @!p0 [sflag:s0], s1  }
0x65: {  	s1 =	ssub.s32 @!p0 $0x0, s1;
	[sflag:s0] =	ssyncset.done @!p0 $0x0  }
0x66: {  	[sflag:s0] =	ssyncadd.s32 @!p0 s1  }
0x67: {  	[bflag:$0x3] =	sbarrier.arrive $0xFFFF  }
0x68: {  	_ =	shalt  }

// kernel: kernel.9.cloned.1.call-start
scs
__scs_entry_jumppad:
0x0: {  	(pc) =	sbr.rel $0x88, $3  }
0x1: {  	(tag) =	ssettag $0x0;
	lr =	simm.s32 $0x1  }
0x2: {  	[smem:$0x3F9D] =	sst lr;
	_ =	strace $0xD0000000  }
0x3: {  	_ = 	snop  }
0x4: {  	_ = 	snop  }
0x5: {  	_ = 	snop  }
0x6: {  	_ = 	snop  }
0x7: {  	_ = 	snop  }
__scs_overlays_trampoline_lowered:
0x8: {  	[smem:$0x3FAC] =	sst s0  }
0x9: {  	[smem:$0x3FAD] =	sst s1  }
0xa: {  	[smem:$0x3FAE] =	sst s2  }
0xb: {  	[smem:$0x3FAF] =	sst s3  }
0xc: {  	[smem:$0x3FB0] =	sst s4  }
0xd: {  	[smem:$0x3FB1] =	sst s5  }
0xe: {  	[smem:$0x3FB2] =	sst s6  }
0xf: {  	[smem:$0x3FB3] =	sst s7  }
0x10: {  	[smem:$0x3FB4] =	sst s8  }
0x11: {  	[smem:$0x3FB5] =	sst s9;
	s0 =	simm.s32 @!p0 $0x0  }
0x12: {  	s1 =	sld [smem:$0x3F9B];
	s0 =	simm.s32 @p0 $0x1  }
0x13: {  	[smem:$0x3FB6] =	sst s0;
	s0 =	simm.s32 @!p1 $0x0  }
0x14: {  	s2 =	sld [smem:$0x3F9A];
	s0 =	simm.s32 @p1 $0x1  }
0x15: {  	[smem:$0x3FB7] =	sst s0;
	s0 =	simm.s32 @!p2 $0x0  }
0x16: {  	s3 =	sld [smem:$0x3FDB];
	s0 =	simm.s32 @p2 $0x1  }
0x17: {  	s4 =	simm.s32 $0x1BF5;
	[smem:$0x3FB9] =	sst s0  }
0x18: {  	s0 =	sld [smem:$0x3F9C];
	_ =	swait.ge [sflag:s4], $0x0  }
0x19: {  	s7 =	sld [smem:$0x3F9D]  }
0x1a: {  	s8 =	sadd.s32 $0xFFFFE003, lr  }
0x1b: {  	s9 =	sadd.s32 $0xFFFFFEF7, lr;
	s5 =	simm.s32 $0xFFFFFFFF;
	p2 =	slt.u32 s8, $0xFFFFF086  }
0x1c: {  	p1 =	slt.u32 s9, $0xF7A;
	s5 =	simm.s32 @!p2 $0x0  }
0x1d: {  	s5 =	simm.s32 @p1 $0x1;
	p0 =	seq.s32 s7, s2  }
0x1e: {  	s7 =	smul.u32 @!p0 $0xF7A, s2;
	p2 =	seq.s32 @!p0 s5, $0x0  }
0x1f: {  	s9 =	smul.u32 $0xF7A, s1;
	s8 =	simm.s32 @!p0 $0x1BF5;
	p2 =	por !p2, p0  }
0x20: {  	[sflag:s8] =	ssyncset.s32 @!p0 $0xFFFFF086;
	s6 =	sadd.s32 @!p0 s3, s7;
	s7 =	simm.s32 @!p0 $0x108  }
0x21: {  	s3 =	sadd.s32 s3, s9;
	s6 =	sadd.s32 @!p0 $0x88, s6;
	s7 =	simm.s32 @p2 $0x1082  }
0x22: {  	[simem:s7], [sflag:s8] =	dma.local @!p0 [hbm:s6], $0xF7A  }
0x23: {  	s9 =	sor.u32 $0xD0000000, s2;
	s6 =	simm.s32 $0x108;
	_ =	swait.ge @!p0 [sflag:s8], $0x0  }
0x24: {  	s3 =	sadd.s32 $0x88, s3;
	s6 =	simm.s32 @!p1 $0x1082;
	[sflag:s4] =	ssyncset.s32 $0xFFFFF086  }
0x25: {  	[simem:s6], [sflag:s4] =	dma.local [hbm:s3], $0xF7A  }
0x26: {  	[smem:$0x3F9D] =	sst s1;
	(tag) =	ssettag s2;
	_ =	strace s9  }
0x27: {  	s1 =	sld [smem:$0x3FAD]  }
0x28: {  	s2 =	sld [smem:$0x3FAE]  }
0x29: {  	s4 =	sld [smem:$0x3FB0]  }
0x2a: {  	p0 =	seq.s32 s5, $0x0;
	s5 =	sld [smem:$0x3FB1]  }
0x2b: {  	s6 =	sld [smem:$0x3FB2]  }
0x2c: {  	s7 =	sld [smem:$0x3FB3]  }
0x2d: {  	s3 =	simm.s32 $0x108;
	s8 =	sld [smem:$0x3FB4]  }
0x2e: {  	s3 =	simm.s32 @!p0 $0x1082;
	s9 =	sld [smem:$0x3FB5]  }
0x2f: {  	lr =	sadd.s32 s0, s3;
	s0 =	sld [smem:$0x3FAC]  }
0x30: {  	s3 =	sld [smem:$0x3FAF]  }
0x31: {  	[smem:$0x3FB8] =	sst s10  }
0x32: {  	s10 =	sld [smem:$0x3FB6];
	_ =	sdelay $0x3  }
0x33: {  	p0 =	seq.s32 s10, $0x1;
	s10 =	sld [smem:$0x3FB8];
	_ =	sdelay $0x3  }
0x34: {  	[smem:$0x3FB8] =	sst s10  }
0x35: {  	s10 =	sld [smem:$0x3FB7];
	_ =	sdelay $0x3  }
0x36: {  	p1 =	seq.s32 s10, $0x1;
	s10 =	sld [smem:$0x3FB8];
	_ =	sdelay $0x3  }
0x37: {  	[smem:$0x3FB8] =	sst s10  }
0x38: {  	s10 =	sld [smem:$0x3FB9]  }
0x39: {  	_ = 	snop;
	(pc) =	sbr.ind lr, $3  }
0x3a: {  	_ = 	snop  }
0x3b: {  	_ = 	snop  }
0x3c: {  	p2 =	seq.s32 s10, $0x1;
	s10 =	sld [smem:$0x3FB8]  }
0x3d: {  	_ =	shalt  }
0x3e: {  	_ =	shalt  }
0x3f: {  	_ =	shalt  }
0x40: {  	_ =	shalt  }
0x41: {  	_ =	shalt  }
0x42: {  	_ =	shalt  }
0x43: {  	_ =	shalt  }
0x44: {  	_ =	shalt  }
0x45: {  	_ =	shalt  }
0x46: {  	_ =	shalt  }
0x47: {  	_ =	shalt  }
0x48: {  	_ =	shalt  }
0x49: {  	_ =	shalt  }
0x4a: {  	_ =	shalt  }
0x4b: {  	_ =	shalt  }
0x4c: {  	_ =	shalt  }
0x4d: {  	_ =	shalt  }
0x4e: {  	_ =	shalt  }
0x4f: {  	_ =	shalt  }
0x50: {  	_ =	shalt  }
0x51: {  	_ =	shalt  }
0x52: {  	_ =	shalt  }
0x53: {  	_ =	shalt  }
0x54: {  	_ =	shalt  }
0x55: {  	_ =	shalt  }
0x56: {  	_ =	shalt  }
0x57: {  	_ =	shalt  }
0x58: {  	_ =	shalt  }
0x59: {  	_ =	shalt  }
0x5a: {  	_ =	shalt  }
0x5b: {  	_ =	shalt  }
0x5c: {  	_ =	shalt  }
0x5d: {  	_ =	shalt  }
0x5e: {  	_ =	shalt  }
0x5f: {  	_ =	shalt  }
0x60: {  	_ =	shalt  }
0x61: {  	_ =	shalt  }
0x62: {  	_ =	shalt  }
0x63: {  	_ =	shalt  }
0x64: {  	_ =	shalt  }
0x65: {  	_ =	shalt  }
0x66: {  	_ =	shalt  }
0x67: {  	_ =	shalt  }
0x68: {  	_ =	shalt  }
0x69: {  	_ =	shalt  }
0x6a: {  	_ =	shalt  }
0x6b: {  	_ =	shalt  }
0x6c: {  	_ =	shalt  }
0x6d: {  	_ =	shalt  }
0x6e: {  	_ =	shalt  }
0x6f: {  	_ =	shalt  }
0x70: {  	_ =	shalt  }
0x71: {  	_ =	shalt  }
0x72: {  	_ =	shalt  }
0x73: {  	_ =	shalt  }
0x74: {  	_ =	shalt  }
0x75: {  	_ =	shalt  }
0x76: {  	_ =	shalt  }
0x77: {  	_ =	shalt  }
0x78: {  	_ =	shalt  }
0x79: {  	_ =	shalt  }
0x7a: {  	_ =	shalt  }
0x7b: {  	_ =	shalt  }
0x7c: {  	_ =	shalt  }
0x7d: {  	_ =	shalt  }
0x7e: {  	_ =	shalt  }
0x7f: {  	_ =	shalt  }
0x80: {  	_ =	shalt  }
0x81: {  	_ =	shalt  }
0x82: {  	_ =	shalt  }
0x83: {  	_ =	shalt  }
0x84: {  	_ =	shalt  }
0x85: {  	_ =	shalt  }
0x86: {  	_ =	shalt  }
0x87: {  	_ =	shalt  }
.Lfunc_end0:
.L_simem_size_0:
called_computation.1_lowered:
.L_overlay_start_0:
0x88: {  	s2 =	sld [smem:$0x3FD9]  }
0x89: {  	s3 =	sld [smem:$0x3FFE];
	_ =	sdelay $0x1  }
0x8a: {  	s1 =	srdreg.scid  }
0x8b: {  	s0 =	sand.u32 $0x1, s1  }
0x8c: {  	s17 =	sshll.u32 s0, $0xA;
	s2 =	sadd.s32 s3, s2  }
0x8d: {  	s2 =	sadd.s32 s2, s17  }
0x8e: {  	[smem:$0x3FC4] =	sst s2  }
0x8f: {  	_ = 	snop  }
0x90: {  	s2 =	sld [smem:$0x3FD0];
	(tm) =	ssettm $0x1  }
0x91: {  	s18 =	sld [smem:$0x3FFB];
	_ =	sdelay $0x3  }
0x92: {  	_ =	strace s18  }
0x93: {  	s3 =	sld [smem:$0x3FFC];
	_ =	sdelay $0x3  }
0x94: {  	_ =	strace s3  }
0x95: {  	s3 =	sld [smem:$0x3FFD];
	_ =	sdelay $0x3  }
0x96: {  	_ =	strace s3  }
0x97: {  	_ =	strace $0x8FFFFFFF  }
0x98: {  	s19 =	sld [smem:$0x3FDB];
	_ =	sdelay $0x1  }
0x99: {  	s4 =	simm.s32 $_scs_section_size  }
0x9a: {  	s5 =	simm.s32 $_size__tile_overlayer_lowered;
	s6 =	simm.s32 $_tile_overlayer_lowered  }
0x9b: {  	s22 =	simm.s32 $0x1BFF;
	s21 =	sshll.u32 s6, $0x1;
	s3 =	sadd.s32 s4, s19  }
0x9c: {  	s7 =	simm.s32 $0x0;
	s20 =	sshll.u32 s5, $0x1;
	s5 =	sadd.s32 s21, s3  }
0x9d: {  	[timem:s7], [sflag:s22] =	dma.local [hbm:s5], s20  }
0x9e: {  	_ =	swait.ge [sflag:s22], s20  }
0x9f: {  	s4 =	ssub.s32 $0x0, s20;
	[sflag:s22] =	ssyncset.done $0x0  }
0xa0: {  	[sflag:s22] =	ssyncadd.s32 s4;
	_ =	sdelay $0x1  }
0xa1: {  	s23 =	simm.s32 $0x1B8B  }
0xa2: {  	_ =	swait.ge [sflag:s23], $0x1  }
0xa3: {  	[sflag:s23] =	ssyncset.done $0x0  }
0xa4: {  	s25 =	simm.s32 $0x1B8E;
	s24 =	sld [smem:$0x3FFE];
	[sflag:s23] =	ssyncadd.s32 $0xFFFFFFFF  }
0xa5: {  	s26 =	simm.s32 $execute0_lowered;
	[smem:$0x3FD2] =	sst s25  }
0xa6: {  	s5 =	sshll.u32 s26, $0x1;
	_ =	strace $0x80000049;
	[dreg:$0x1] =	wrdreg $0xFFFFFFFF  }
0xa7: {  	s28 =	simm.s32 $_size_execute0_lowered;
	s3 =	sadd.s32 s3, s5;
	[dreg:$0x0] =	wrdreg $0x0  }
0xa8: {  	s5 =	sshll.u32 s28, $0x1;
	[dreg:$0x2] =	wrdreg s3  }
0xa9: {  	[dreg:$0x3] =	wrdreg s5  }
0xaa: {  	[dreg:$0x4] =	wrdreg $0xC0  }
0xab: {  	_ =	task [dreg:s7], $0x5FFFF  }
0xac: {  	[dreg:$0x1] =	wrdreg $0xFFFFFFFF  }
0xad: {  	[dreg:$0x0] =	wrdreg $0x60  }
0xae: {  	[dreg:$0x2] =	wrdreg s2  }
0xaf: {  	[dreg:$0x3] =	wrdreg s24  }
0xb0: {  	[dreg:$0x4] =	wrdreg $0x90000  }
0xb1: {  	[dreg:$0x5] =	wrdreg $0x9  }
0xb2: {  	_ =	task.clear_ibuf [dreg:s7], $0x6FFFF;
	_ =	strace $0x90000049  }
0xb3: {  	s29 =	simm.s32 $0x9;
	_ =	strace $0x8000004B  }
0xb4: {  	_ =	swait.ge [sflag:s29], $0x1  }
0xb5: {  	[sflag:s29] =	ssyncadd.s32 $0xFFFFFFFF  }
0xb6: {  	_ =	strace $0x9000004B  }
0xb7: {  	_ =	sfence  }
0xb8: {  	s30 =	sld [smem:$0x0];
	_ =	sdelay $0x2  }
0xb9: {  	s31 =	sshll.u32 s1, $0xD;
	s1 =	sshrl.u32 s1, $0x2  }
0xba: {  	s3 =	sand.u32 $0x4000, s31;
	s1 =	sadd.s32 s1, s30  }
0xbb: {  	s0 =	sor.u32 s3, s0;
	s1 =	sshll.u32 s1, $0x11  }
0xbc: {  	s0 =	sor.u32 s1, s0  }
0xbd: {  	s0 =	sadd.s32 $0x8F2B, s0  }
0xbe: {  	[sflag:s0] =	ssyncadd.remote.s32 $0x1  }
0xbf: {  	_ =	sfence.sel $0xFFFF  }
0xc0: {  	[dreg:$0x0] =	wrdreg $0xFFFFFFFF;
	(pc) =	sbr.abs _section_cstart, $3  }
0xc1: {  	[dreg:$0x1] =	wrdreg $0xFFFFFFFF  }
0xc2: {  	_ =	task.clear_ibuf [dreg:s7], $0x2FFFF;
	_ =	strace $0x9FFFFFFF  }
0xc3: {  	(tm) =	ssettm $0x7FFFFFFF  }
tec
execute0_lowered:
.L_overlay_start_1:
0x0: {  	(tag) =	ssettag $0x1  }
0x1: {  	s1 =	srdreg.scid;
	s5 =	rddreg [dreg:$0x0]  }
0x2: {  	s0 =	stileid.u32;
	s7 =	rddreg [dreg:$0x1]  }
0x3: {  	s2 =	rddreg [dreg:$0x2];
	s3 =	simm.s32 $0x0;
	s14 =	simm.s32 $0x7D  }
0x4: {  	s15 =	simm.s32 $0x5000;
	s16 =	simm.s32 $0x0;
	s6 =	sand.u32 $0x1, s1  }
0x5: {  	s28 =	sshll.u32 s0, $0x1;
	s9 =	smul.u32 $0x14000, s0;
	[smem:$0x7FF] =	sst s3  }
0x6: {  	s4 =	sadd.s32 $0xB200, s7;
	s13 =	smul.u32 $0x50000, s0;
	s31 =	sshll.u32 s0, $0x6  }
0x7: {  	s1 =	sor.u32 s6, s28;
	s10 =	smul.u32 $0x140000, s6;
	s6 =	ssub.s32 $0x2, s6  }
0x8: {  	s8 =	smul.u32 $0x500, s1;
	s1 =	rddreg [dreg:$0x3];
	_ =	strace $0x8000004A  }
0x9: {  	s12 =	sshrl.u32 s6, $0x1;
	s29 =	sshrl.u32 s13, $0x2;
	s30 =	sshrl.u32 s9, $0x3  }
0xa: {  	s10 =	sadd.s32 s9, s10;
	s12 =	ssub.s32 s6, s12;
	s13 =	sadd.s32 s29, s2  }
0xb: {  	s11 =	sadd.s32 s8, s7;
	s10 =	sshrl.u32 s10, $0x3;
	s5 =	sadd.s32 s5, s8  }
0xc: {  	s9 =	smax.u32 s12, $0x1;
	s12 =	sor.u32 $0x1C01, s31;
	s13 =	sshrl.u32 s13, $0x3  }
0xd: {  	s10 =	sadd.s32 s10, s7;
	s6 =	sadd.s32 $0x1200, s11;
	s7 =	sadd.s32 s4, s30  }
0xe: {  	s11 =	simm.s32 $0x2800;
	s8 =	sadd.s32 $0x33200, s10;
	s10 =	simm.s32 $0x1  }
.LBB2_1:
0xf: {  	[tilespmem:s3], [sflag:$0x1] =	stream.linear.gather [hbm4b:s5+s3], $0x2800, $0x38;
	[tilespmem:$0x1D000] =	vst v63  }
0x10: {  	_ =	swait.ge [sflag:s10], $0x2800  }
0x11: {  	[sflag:s10] =	ssyncset.done $0x0  }
0x12: {  	[sflag:s10] =	ssyncadd.s32 $0xFFFFD800  }
0x13: {  	[tilespmem:s11], [sflag:$0x1] =	stream.linear.gather [hbm4b:s6+s3], $0x2800, $0x38;
	[tilespmem:$0x1D000] =	vst v63  }
0x14: {  	_ =	swait.ge [sflag:s10], $0x2800  }
0x15: {  	[sflag:s10] =	ssyncset.done $0x0  }
0x16: {  	[sflag:s10] =	ssyncadd.s32 $0xFFFFD800  }
0x17: {  	[spmem:s13], [sflag:s12] =	dma.local [hbm:s7], $0x2800  }
0x18: {  	_ =	swait.ge [sflag:s10], $0x2800  }
0x19: {  	[sflag:s10] =	ssyncset.done $0x0  }
0x1a: {  	[sflag:s10] =	ssyncadd.s32 $0xFFFFD800  }
0x1b: {  	s17 =	simm.s32 $0x0;
	[bflag:$0x0] =	sbarrier.arrive $0xFFFF  }
0x1c: {  	[tilespmem:s15], [sflag:$0x1] =	stream.indirect.gather [hbm4b:s4+s14], $0x80, s17, s14, $0xb8;
	[tilespmem:$0x1D000] =	vst v63  }
0x1d: {  	_ =	swait.ge [sflag:s10], $0x3E80  }
0x1e: {  	[sflag:s10] =	ssyncset.done $0x0  }
0x1f: {  	s31 =	simm.s32 $0x2800;
	[sflag:s10] =	ssyncadd.s32 $0xFFFFC180  }
0x20: {  	[spmem:s2] =	stream.indirect.scatter.add.f32 [tilespmem:s15], [sflag:$0x1], $0x80, s31, s14, $0xb8;
	[tilespmem:$0x1D000] =	vst v63  }
0x21: {  	_ =	swait.ge [sflag:s10], $0x3E80  }
0x22: {  	s18 =	simm.s32 $0x400;
	s17 =	simm.s32 $0x200;
	[sflag:s10] =	ssyncset.done $0x0  }
.LBB2_2:
0x23: {  	s19 =	sshra.s32 s17, $0x2  }
0x24: {  	[sflag:s10] =	ssyncadd.s32 $0xFFFFC180;
	s17 =	smov.u32 s18;
	s20 =	sadd.s32 $0x200, s18  }
0x25: {  	[tilespmem:s15], [sflag:$0x1] =	stream.indirect.gather [hbm4b:s4+s14], $0x80, s19, s14, $0xb8;
	[tilespmem:$0x1D000] =	vst v63  }
0x26: {  	p0 =	sne.s32 s18, $0x9E00;
	_ =	swait.ge [sflag:s10], $0x3E80  }
.Ltmp0:
0x27: {  	[sflag:s10] =	ssyncset.done $0x0;
	(pc) =	sbr.rel @p0 .LBB2_2-.Ltmp0, $4  }
0x28: {  	s18 =	sadd.s32 $0x2800, s19;
	[sflag:s10] =	ssyncadd.s32 $0xFFFFC180  }
0x29: {  	[spmem:s2] =	stream.indirect.scatter.add.f32 [tilespmem:s15], [sflag:$0x1], $0x80, s18, s14, $0xb8;
	[tilespmem:$0x1D000] =	vst v63  }
0x2a: {  	_ =	swait.ge [sflag:s10], $0x3E80  }
0x2b: {  	s18 =	smov.u32 s20;
	[sflag:s10] =	ssyncset.done $0x0  }
0x2c: {  	s17 =	sshra.s32 s17, $0x2;
	[sflag:s10] =	ssyncadd.s32 $0xFFFFC180  }
0x2d: {  	[tilespmem:s15], [sflag:$0x1] =	stream.indirect.gather [hbm4b:s4+s14], $0x80, s17, s14, $0xb8;
	[tilespmem:$0x1D000] =	vst v63  }
0x2e: {  	_ =	swait.ge [sflag:s10], $0x3E80  }
0x2f: {  	[sflag:s10] =	ssyncset.done $0x0  }
0x30: {  	s17 =	sadd.s32 $0x2800, s17;
	[sflag:s10] =	ssyncadd.s32 $0xFFFFC180  }
0x31: {  	[spmem:s2] =	stream.indirect.scatter.add.f32 [tilespmem:s15], [sflag:$0x1], $0x80, s17, s14, $0xb8;
	[tilespmem:$0x1D000] =	vst v63  }
0x32: {  	_ =	swait.ge [sflag:s10], $0x3E80  }
0x33: {  	s16 =	sadd.s32 $0x1, s16;
	[sflag:s10] =	ssyncset.done $0x0  }
0x34: {  	p0 =	sne.s32 s16, s9;
	[sflag:s10] =	ssyncadd.s32 $0xFFFFC180  }
.Ltmp1:
0x35: {  	[bflag:$0x0] =	sbarrier.arrive $0xFFFF;
	(pc) =	sbr.rel @p0 .LBB2_1-.Ltmp1, $4  }
0x36: {  	[hbm:s8], [sflag:s12] =	dma.local [spmem:s13], $0x2800  }
0x37: {  	_ =	swait.ge [sflag:s10], $0x2800  }
0x38: {  	[sflag:s10] =	ssyncset.done $0x0  }
0x39: {  	[sflag:s10] =	ssyncadd.s32 $0xFFFFD800  }
0x3a: {  	_ =	sfence.sel $0x180000  }
0x3b: {  	[bflag:$0x0] =	sbarrier.arrive $0xFFFF  }
0x3c: {  	p0 =	sne.s32 s0, $0x0;
	_ =	strace $0x9000004A  }
0x3d: {  	s0 =	sadd.s32 @!p0 $0x100000, s1;
	[bflag:$0x2] =	sbarrier.arrive $0xFFFF  }
0x3e: {  	[sflag:s0] =	ssyncadd.tile.s32 @!p0 $0x1;
	_ =	shalt  }
.Lfunc_end2:
_tile_overlayer_lowered:
.L_overlay_start_2:
0x3f: {  	(tag) =	ssettag $0x2  }
0x40: {  	s0 =	rddreg [dreg:$0x0];
	s2 =	stileid.u32  }
0x41: {  	s1 =	rddreg [dreg:$0x1];
	p0 =	sne.s32 s2, $0x0  }
0x42: {  	s3 =	rddreg [dreg:$0x2];
	[bflag:$0x3] =	sbarrier.arrive $0xFFFF;
	s2 =	simm.s32 @!p0 $0x1C01  }
0x43: {  	[timem:s3], [sflag:s2] =	dma.local @!p0 [hbm:s0], s1  }
0x44: {  	s0 =	simm.s32 @!p0 $0x1  }
0x45: {  	_ =	swait.ge @!p0 [sflag:s0], s1  }
0x46: {  	s1 =	ssub.s32 @!p0 $0x0, s1;
	[sflag:s0] =	ssyncset.done @!p0 $0x0  }
0x47: {  	[sflag:s0] =	ssyncadd.s32 @!p0 s1  }
0x48: {  	[bflag:$0x3] =	sbarrier.arrive $0xFFFF  }
0x49: {  	_ =	shalt  }

</sc_bundles>
